<compile_context>
chip_gen: v7x
topology: tpu7x:2x2x1
jax: 0.10.2.dev20260603
libtpu: 0.0.44.dev20260713+nightly
codegen_flags: <defaults>
</compile_context>

<pallas_src>
import functools

import jax
import jax.numpy as jnp
from jax import lax
from jax.experimental import pallas as pl
from jax.experimental.pallas import tpu as pltpu
from jax.experimental.pallas import tpu_sc as plsc

N = 10000
DI = 128
DO = 256
E = 320000

NC = 2
NS = 16
NW = NC * NS
K = 128
NB = 79
EPT = NB * K
EPAD = EPT * NW
EPT2 = EPAD // NS
NPAD = 10240
RPT = NPAD // NS
NSLOT = 2


def _degree_body(dst_ref, out_ref, didx_all, deg_local, slab, outbuf, stack_sh):
    c = lax.axis_index("c")
    s = lax.axis_index("s")
    zero16 = jnp.zeros((16,), jnp.float32)
    ones16 = jnp.ones((16,), jnp.float32)

    @pl.when(c == 0)
    def _hist():
        def z(i, carry):
            deg_local[pl.ds(i * 16, 16)] = zero16
            return carry

        lax.fori_loop(0, NPAD // 16, z, 0)
        pltpu.sync_copy(dst_ref.at[pl.ds(s * EPT2, EPT2)], didx_all)

        def h(i, carry):
            iv = didx_all[pl.ds(i * 16, 16)]
            plsc.addupdate_scatter(deg_local, [iv], ones16)
            return carry

        lax.fori_loop(0, EPT2 // 16, h, 0)
        pltpu.sync_copy(deg_local, stack_sh.at[s])

    plsc.subcore_barrier()

    @pl.when(c == 0)
    def _reduce():
        pltpu.sync_copy(stack_sh.at[:, pl.ds(s * RPT, RPT)], slab)

        def r(k, carry):
            acc = slab[0, pl.ds(k * 16, 16)]
            for rr in range(1, NS):
                acc = acc + slab[rr, pl.ds(k * 16, 16)]
            outbuf[pl.ds(k * 16, 16)] = acc
            return carry

        lax.fori_loop(0, RPT // 16, r, 0)
        pltpu.sync_copy(outbuf, out_ref.at[pl.ds(s * RPT, RPT)])


def _scatter_body(src_ref, dst_ref, xs_ref, zeros_ref, out_ref,
                  sidx, didx, rows, agg, gsem, ssem):
    c = lax.axis_index("c")
    s = lax.axis_index("s")
    wid = s * NC + c
    pltpu.sync_copy(zeros_ref.at[pl.ds(s * RPT, RPT)],
                    agg.at[pl.ds(s * RPT, RPT)])
    plsc.subcore_barrier()
    base = wid * EPT

    def load_and_gather(j, slot):
        off = pl.multiple_of(base + j * K, 8)
        pltpu.sync_copy(src_ref.at[pl.ds(off, K)], sidx[slot])
        pltpu.sync_copy(dst_ref.at[pl.ds(off, K)], didx[slot])
        pltpu.async_copy(xs_ref.at[sidx[slot]], rows[slot], gsem[slot])

    for u in range(NSLOT):
        load_and_gather(u, u)

    def group(g, carry):
        for u in range(NSLOT):
            j = g * NSLOT + u
            pltpu.make_async_copy(xs_ref.at[sidx[u]], rows[u],
                                  gsem[u]).wait()
            pltpu.async_copy(rows[u], agg.at[didx[u]], ssem[u], add=True)

            @pl.when(j + NSLOT < NB - 1)
            def _prefetch():
                pltpu.make_async_copy(rows[u], agg.at[didx[u]],
                                      ssem[u]).wait()
                load_and_gather(j + NSLOT, u)

        return carry

    lax.fori_loop(0, (NB - 1) // NSLOT, group, 0)
    pltpu.make_async_copy(rows[0], agg.at[didx[0]], ssem[0]).wait()
    load_and_gather(NB - 1, 0)
    pltpu.make_async_copy(xs_ref.at[sidx[0]], rows[0], gsem[0]).wait()
    pltpu.async_copy(rows[0], agg.at[didx[0]], ssem[0], add=True)
    for u in range(NSLOT):
        pltpu.make_async_copy(rows[u], agg.at[didx[u]], ssem[u]).wait()

    plsc.subcore_barrier()
    pltpu.sync_copy(agg.at[pl.ds(s * RPT, RPT)],
                    out_ref.at[c, pl.ds(s * RPT, RPT)])


def _scale_body(x_ref, deg_ref, xs_ref):
    d = deg_ref[...] + 1.0
    xs_ref[...] = x_ref[...] * lax.rsqrt(d)


def _out_body(p_ref, x_ref, deg_ref, w_ref, b_ref, o_ref):
    d = deg_ref[...] + 1.0
    h = (p_ref[0] + p_ref[1]) * lax.rsqrt(d) + x_ref[...] / d
    o_ref[...] = (jnp.dot(h, w_ref[...], preferred_element_type=jnp.float32)
                  + b_ref[...])


_mesh = plsc.VectorSubcoreMesh(core_axis_name="c", subcore_axis_name="s")

_degree_kernel = functools.partial(
    pl.kernel,
    mesh=_mesh,
    compiler_params=pltpu.CompilerParams(needs_layout_passes=False),
    out_type=jax.ShapeDtypeStruct((NPAD,), jnp.float32),
    scratch_types=[
        pltpu.VMEM((EPT2,), jnp.int32),
        pltpu.VMEM((NPAD,), jnp.float32),
        pltpu.VMEM((NS, RPT), jnp.float32),
        pltpu.VMEM((RPT,), jnp.float32),
        pltpu.VMEM_SHARED((NS, NPAD), jnp.float32),
    ],
)(_degree_body)

_scatter_kernel = functools.partial(
    pl.kernel,
    mesh=_mesh,
    out_type=jax.ShapeDtypeStruct((NC, NPAD, DI), jnp.float32),
    scratch_types=[
        [pltpu.VMEM((K,), jnp.int32) for _ in range(4)],
        [pltpu.VMEM((K,), jnp.int32) for _ in range(4)],
        [pltpu.VMEM((K, DI), jnp.float32) for _ in range(NSLOT)],
        pltpu.VMEM_SHARED((NPAD, DI), jnp.float32),
        [pltpu.SemaphoreType.DMA for _ in range(NSLOT)],
        [pltpu.SemaphoreType.DMA for _ in range(NSLOT)],
    ],
)(_scatter_body)


def kernel(x, edge_index, W, b):
    src = edge_index[0].astype(jnp.int32)
    dst = edge_index[1].astype(jnp.int32)
    pad = EPAD - E
    src_p = jnp.concatenate([src, jnp.zeros((pad,), jnp.int32)])
    trash = N + (jnp.arange(pad, dtype=jnp.int32) % (NPAD - N))
    dst_p = jnp.concatenate([dst, trash])

    zeros_agg = jnp.zeros((NPAD, DI), jnp.float32)

    degs = _degree_kernel(dst_p)
    deg_col = degs.reshape(NPAD, 1)[:N]

    R = 400
    xs = pl.pallas_call(
        _scale_body,
        grid=(N // R,),
        in_specs=[
            pl.BlockSpec((R, DI), lambda i: (i, 0)),
            pl.BlockSpec((R, 1), lambda i: (i, 0)),
        ],
        out_specs=pl.BlockSpec((R, DI), lambda i: (i, 0)),
        out_shape=jax.ShapeDtypeStruct((N, DI), jnp.float32),
    )(x, deg_col)

    P = _scatter_kernel(src_p, dst_p, xs, zeros_agg)
    P_n = P[:, :N]

    out = pl.pallas_call(
        _out_body,
        grid=(N // R,),
        in_specs=[
            pl.BlockSpec((NC, R, DI), lambda i: (0, i, 0)),
            pl.BlockSpec((R, DI), lambda i: (i, 0)),
            pl.BlockSpec((R, 1), lambda i: (i, 0)),
            pl.BlockSpec((DI, DO), lambda i: (0, 0)),
            pl.BlockSpec((1, DO), lambda i: (0, 0)),
        ],
        out_specs=pl.BlockSpec((R, DO), lambda i: (i, 0)),
        out_shape=jax.ShapeDtypeStruct((N, DO), jnp.float32),
    )(P_n, x, deg_col, W, b.reshape(1, DO))
    return out

# --- scband reference (transcript-rebuilt; emitter-appended) ---
"""Pipeline reference for scband-gcn-1layer-70188355551333 (READ-ONLY COPY).

The authoritative reference and input builder live on the scoring server;
editing this copy changes nothing except your own understanding.
"""

import jax, jax.numpy as jnp
import numpy as np

N_NODES = 10000
N_EDGES = 320000
D_IN = 128
D_OUT = 256

def setup_inputs(seed: int = 0) -> dict:
    key = jax.random.key(seed)
    k1, k2, k3, k4 = jax.random.split(key, 4)
    x = jax.random.normal(k1, (N_NODES, D_IN), dtype=jnp.float32)
    edge_index = jax.random.randint(k2, (2, N_EDGES), 0, N_NODES, dtype=jnp.int64)
    # GCNConv learned params (glorot weight, zero bias like PyG defaults)
    W = jax.random.normal(k3, (D_IN, D_OUT), dtype=jnp.float32) * (1.0 / np.sqrt(D_IN))
    b = jnp.zeros((D_OUT,), dtype=jnp.float32)
    return {"x": x, "edge_index": edge_index, "W": W, "b": b}

def reference(x, edge_index, W, b):
    # Faithful GCNConv: add self-loops, symmetric normalization D^-1/2 (A+I) D^-1/2 (X W) + b
    N = x.shape[0]
    loop = jnp.arange(N, dtype=edge_index.dtype)
    src = jnp.concatenate([edge_index[0], loop])
    dst = jnp.concatenate([edge_index[1], loop])
    xw = x @ W
    deg = jnp.zeros((N,), dtype=x.dtype).at[dst].add(1.0)
    deg_inv_sqrt = jnp.where(deg > 0, deg ** -0.5, 0.0)
    norm = deg_inv_sqrt[src] * deg_inv_sqrt[dst]
    msg = xw[src] * norm[:, None]
    out = jnp.zeros((N, W.shape[1]), dtype=x.dtype).at[dst].add(msg)
    return out + b

if __name__ == "__main__":
    import jax
    _d = setup_inputs()
    print(jax.jit(kernel)(*tuple(_d.values())))

</pallas_src>

<mosaic_0001>
#map = affine_map<(d0, d1) -> (0)>
module attributes {stable_mosaic.version = 14 : i64} {
  func.func @_degree_body(%arg0: i32, %arg1: i32, %arg2: memref<323584xi32, #tpu.memory_space<hbm>>, %arg3: memref<10240xf32, #tpu.memory_space<hbm>>, %arg4: memref<20224xi32, #tpu.memory_space<vmem>>, %arg5: memref<10240xf32, #tpu.memory_space<vmem>>, %arg6: memref<16x640xf32, #tpu.memory_space<vmem>>, %arg7: memref<640xf32, #tpu.memory_space<vmem>>, %arg8: memref<16x10240xf32, #tpu.memory_space<vmem_shared>>) attributes {dimension_semantics = [#tpu.dimension_semantics<core_parallel>, #tpu.dimension_semantics<subcore_parallel>], iteration_bounds = array<i64: 2, 16>, scalar_prefetch = 0 : i64, scratch_operands = 5 : i64, tpu.core_type = #tpu.core_type<sc_vector_subcore>, window_params = [{transform_indices = #map}, {transform_indices = #map}]} {
    %broadcast_in_dim3A = arith.constant 0.000000e+00 : f32
    %broadcast_in_dim3A_0 = vector.broadcast %broadcast_in_dim3A : f32 to vector<16xf32>
    %broadcast_in_dim3A_1 = arith.constant 1.000000e+00 : f32
    %broadcast_in_dim3A_2 = vector.broadcast %broadcast_in_dim3A_1 : f32 to vector<16xf32>
    %eq3A = arith.constant 0 : i32
    %eq3A_3 = arith.cmpi eq, %arg0, %eq3A : i32
    %convert_element_type3A = arith.extui %eq3A_3 : i1 to i32
    %cond3A = arith.constant 0 : i32
    %cond3A_4 = arith.cmpi ne, %convert_element_type3A, %cond3A : i32
    scf.if %cond3A_4 {
      %scan3A = arith.constant 0 : i32
      %scan3A_10 = arith.constant 0 : i32
      %scan3A_11 = arith.constant 640 : i32
      %scan3A_12 = arith.addi %scan3A_10, %scan3A_11 : i32
      %scan3A_13 = arith.constant 1 : i32
      scf.for %scan3A_22 = %scan3A_10 to %scan3A_12 step %scan3A_13  : i32 {
        %mul3A_23 = arith.constant 16 : i32
        %mul3A_24 = arith.muli %scan3A_22, %mul3A_23 : i32
        %swap3A = arith.index_cast %mul3A_24 : i32 to index
        %swap3A_25 = tpu.vector_load %arg5[%swap3A] {strides = array<i32>} : memref<10240xf32, #tpu.memory_space<vmem>>, vector<16xf32>,
        tpu.vector_store %arg5[%swap3A], %broadcast_in_dim3A_0 {strides = array<i32>} : memref<10240xf32, #tpu.memory_space<vmem>>, vector<16xf32>,
      }
      %scan3A_14 = arith.constant 640 : i32
      %mul3A = arith.constant 20224 : i32
      %mul3A_15 = arith.muli %arg1, %mul3A : i32
      "tpu.region"() ({
        %run_scoped3A = tpu.sem_alloc : memref<!tpu.dma_semaphore, #tpu.memory_space<semaphore_mem>>
        %dma_start3A = tpu.memref_slice %arg2[%mul3A_15] : memref<323584xi32, #tpu.memory_space<hbm>> -> memref<20224xi32, #tpu.memory_space<hbm>>
        %dma_start3A_22 = tpu.memref_slice %arg2[%mul3A_15] : memref<323584xi32, #tpu.memory_space<hbm>> -> memref<20224xi32, #tpu.memory_space<hbm>>
        tpu.enqueue_dma source(%dma_start3A_22 : memref<20224xi32, #tpu.memory_space<hbm>>) target(%arg4 : memref<20224xi32, #tpu.memory_space<vmem>>) target_semaphore(%run_scoped3A : memref<!tpu.dma_semaphore, #tpu.memory_space<semaphore_mem>>)
        %dma_wait3A = tpu.memref_slice %arg2[%mul3A_15] : memref<323584xi32, #tpu.memory_space<hbm>> -> memref<20224xi32, #tpu.memory_space<hbm>>
        %dma_wait3A_23 = tpu.memref_slice %arg2[%mul3A_15] : memref<323584xi32, #tpu.memory_space<hbm>> -> memref<20224xi32, #tpu.memory_space<hbm>>
        tpu.wait_dma2 semaphore(%run_scoped3A : memref<!tpu.dma_semaphore, #tpu.memory_space<semaphore_mem>>) src(%dma_wait3A_23 : memref<20224xi32, #tpu.memory_space<hbm>>) dst(%arg4 : memref<20224xi32, #tpu.memory_space<vmem>>)
        tpu.yield
      }) : () -> ()
      %scan3A_16 = arith.constant 0 : i32
      %scan3A_17 = arith.constant 0 : i32
      %scan3A_18 = arith.constant 1264 : i32
      %scan3A_19 = arith.addi %scan3A_17, %scan3A_18 : i32
      %scan3A_20 = arith.constant 1 : i32
      scf.for %scan3A_22 = %scan3A_17 to %scan3A_19 step %scan3A_20  : i32 {
        %mul3A_23 = arith.constant 16 : i32
        %mul3A_24 = arith.muli %scan3A_22, %mul3A_23 : i32
        %get3A = arith.index_cast %mul3A_24 : i32 to index
        %get3A_25 = tpu.vector_load %arg4[%get3A] {strides = array<i32>} : memref<20224xi32, #tpu.memory_space<vmem>>, vector<16xi32>,
        tpu.vector_store_idx %arg5[%get3A_25], %broadcast_in_dim3A_2 {add = true} : memref<10240xf32, #tpu.memory_space<vmem>>[vector<16xi32>], vector<16xf32>,
      }
      %scan3A_21 = arith.constant 1264 : i32
      "tpu.region"() ({
        %run_scoped3A = tpu.sem_alloc : memref<!tpu.dma_semaphore, #tpu.memory_space<semaphore_mem>>
        %dma_start3A = arith.constant 0 : i32
        %dma_start3A_22 = tpu.memref_slice %arg8[%arg1, %dma_start3A] : memref<16x10240xf32, #tpu.memory_space<vmem_shared>> -> memref<1x10240xf32, #tpu.memory_space<vmem_shared>>
        %dma_start3A_23 = tpu.memref_squeeze %dma_start3A_22 : memref<1x10240xf32, #tpu.memory_space<vmem_shared>> -> memref<10240xf32, #tpu.memory_space<vmem_shared>>
        %dma_start3A_24 = arith.constant 0 : i32
        %dma_start3A_25 = tpu.memref_slice %arg8[%arg1, %dma_start3A_24] : memref<16x10240xf32, #tpu.memory_space<vmem_shared>> -> memref<1x10240xf32, #tpu.memory_space<vmem_shared>>
        %dma_start3A_26 = tpu.memref_squeeze %dma_start3A_25 : memref<1x10240xf32, #tpu.memory_space<vmem_shared>> -> memref<10240xf32, #tpu.memory_space<vmem_shared>>
        tpu.enqueue_dma source(%arg5 : memref<10240xf32, #tpu.memory_space<vmem>>) target(%dma_start3A_26 : memref<10240xf32, #tpu.memory_space<vmem_shared>>) target_semaphore(%run_scoped3A : memref<!tpu.dma_semaphore, #tpu.memory_space<semaphore_mem>>)
        %dma_wait3A = arith.constant 0 : i32
        %dma_wait3A_27 = tpu.memref_slice %arg8[%arg1, %dma_wait3A] : memref<16x10240xf32, #tpu.memory_space<vmem_shared>> -> memref<1x10240xf32, #tpu.memory_space<vmem_shared>>
        %dma_wait3A_28 = tpu.memref_squeeze %dma_wait3A_27 : memref<1x10240xf32, #tpu.memory_space<vmem_shared>> -> memref<10240xf32, #tpu.memory_space<vmem_shared>>
        %dma_wait3A_29 = arith.constant 0 : i32
        %dma_wait3A_30 = tpu.memref_slice %arg8[%arg1, %dma_wait3A_29] : memref<16x10240xf32, #tpu.memory_space<vmem_shared>> -> memref<1x10240xf32, #tpu.memory_space<vmem_shared>>
        %dma_wait3A_31 = tpu.memref_squeeze %dma_wait3A_30 : memref<1x10240xf32, #tpu.memory_space<vmem_shared>> -> memref<10240xf32, #tpu.memory_space<vmem_shared>>
        tpu.wait_dma2 semaphore(%run_scoped3A : memref<!tpu.dma_semaphore, #tpu.memory_space<semaphore_mem>>) src(%arg5 : memref<10240xf32, #tpu.memory_space<vmem>>) dst(%dma_wait3A_31 : memref<10240xf32, #tpu.memory_space<vmem_shared>>)
        tpu.yield
      }) : () -> ()
    } else {
    }
    %barrier3A = arith.constant 0 : index
    tpu.barrier barrier_id(%barrier3A)
    %eq3A_5 = arith.constant 0 : i32
    %eq3A_6 = arith.cmpi eq, %arg0, %eq3A_5 : i32
    %convert_element_type3A_7 = arith.extui %eq3A_6 : i1 to i32
    %cond3A_8 = arith.constant 0 : i32
    %cond3A_9 = arith.cmpi ne, %convert_element_type3A_7, %cond3A_8 : i32
    scf.if %cond3A_9 {
      %mul3A = arith.constant 640 : i32
      %mul3A_10 = arith.muli %arg1, %mul3A : i32
      "tpu.region"() ({
        %run_scoped3A = tpu.sem_alloc : memref<!tpu.dma_semaphore, #tpu.memory_space<semaphore_mem>>
        %dma_start3A = arith.constant 0 : i32
        %dma_start3A_18 = tpu.memref_slice %arg8[%dma_start3A, %mul3A_10] : memref<16x10240xf32, #tpu.memory_space<vmem_shared>> -> memref<16x640xf32, #tpu.memory_space<vmem_shared>>
        %dma_start3A_19 = arith.constant 0 : i32
        %dma_start3A_20 = tpu.memref_slice %arg8[%dma_start3A_19, %mul3A_10] : memref<16x10240xf32, #tpu.memory_space<vmem_shared>> -> memref<16x640xf32, #tpu.memory_space<vmem_shared>>
        tpu.enqueue_dma source(%dma_start3A_20 : memref<16x640xf32, #tpu.memory_space<vmem_shared>>) target(%arg6 : memref<16x640xf32, #tpu.memory_space<vmem>>) target_semaphore(%run_scoped3A : memref<!tpu.dma_semaphore, #tpu.memory_space<semaphore_mem>>)
        %dma_wait3A = arith.constant 0 : i32
        %dma_wait3A_21 = tpu.memref_slice %arg8[%dma_wait3A, %mul3A_10] : memref<16x10240xf32, #tpu.memory_space<vmem_shared>> -> memref<16x640xf32, #tpu.memory_space<vmem_shared>>
        %dma_wait3A_22 = arith.constant 0 : i32
        %dma_wait3A_23 = tpu.memref_slice %arg8[%dma_wait3A_22, %mul3A_10] : memref<16x10240xf32, #tpu.memory_space<vmem_shared>> -> memref<16x640xf32, #tpu.memory_space<vmem_shared>>
        tpu.wait_dma2 semaphore(%run_scoped3A : memref<!tpu.dma_semaphore, #tpu.memory_space<semaphore_mem>>) src(%dma_wait3A_23 : memref<16x640xf32, #tpu.memory_space<vmem_shared>>) dst(%arg6 : memref<16x640xf32, #tpu.memory_space<vmem>>)
        tpu.yield
      }) : () -> ()
      %scan3A = arith.constant 0 : i32
      %scan3A_11 = arith.constant 0 : i32
      %scan3A_12 = arith.constant 40 : i32
      %scan3A_13 = arith.addi %scan3A_11, %scan3A_12 : i32
      %scan3A_14 = arith.constant 1 : i32
      scf.for %scan3A_18 = %scan3A_11 to %scan3A_13 step %scan3A_14  : i32 {
        %mul3A_19 = arith.constant 16 : i32
        %mul3A_20 = arith.muli %scan3A_18, %mul3A_19 : i32
        %get3A = arith.constant 0 : i32
        %get3A_21 = arith.index_cast %get3A : i32 to index
        %get3A_22 = arith.index_cast %mul3A_20 : i32 to index
        %get3A_23 = tpu.vector_load %arg6[%get3A_21, %get3A_22] {strides = array<i32>} : memref<16x640xf32, #tpu.memory_space<vmem>>, vector<16xf32>,
        %mul3A_24 = arith.constant 16 : i32
        %mul3A_25 = arith.muli %scan3A_18, %mul3A_24 : i32
        %get3A_26 = arith.constant 1 : i32
        %get3A_27 = arith.index_cast %get3A_26 : i32 to index
        %get3A_28 = arith.index_cast %mul3A_25 : i32 to index
        %get3A_29 = tpu.vector_load %arg6[%get3A_27, %get3A_28] {strides = array<i32>} : memref<16x640xf32, #tpu.memory_space<vmem>>, vector<16xf32>,
        %add3A = arith.addf %get3A_23, %get3A_29 : vector<16xf32>
        %mul3A_30 = arith.constant 16 : i32
        %mul3A_31 = arith.muli %scan3A_18, %mul3A_30 : i32
        %get3A_32 = arith.constant 2 : i32
        %get3A_33 = arith.index_cast %get3A_32 : i32 to index
        %get3A_34 = arith.index_cast %mul3A_31 : i32 to index
        %get3A_35 = tpu.vector_load %arg6[%get3A_33, %get3A_34] {strides = array<i32>} : memref<16x640xf32, #tpu.memory_space<vmem>>, vector<16xf32>,
        %add3A_36 = arith.addf %add3A, %get3A_35 : vector<16xf32>
        %mul3A_37 = arith.constant 16 : i32
        %mul3A_38 = arith.muli %scan3A_18, %mul3A_37 : i32
        %get3A_39 = arith.constant 3 : i32
        %get3A_40 = arith.index_cast %get3A_39 : i32 to index
        %get3A_41 = arith.index_cast %mul3A_38 : i32 to index
        %get3A_42 = tpu.vector_load %arg6[%get3A_40, %get3A_41] {strides = array<i32>} : memref<16x640xf32, #tpu.memory_space<vmem>>, vector<16xf32>,
        %add3A_43 = arith.addf %add3A_36, %get3A_42 : vector<16xf32>
        %mul3A_44 = arith.constant 16 : i32
        %mul3A_45 = arith.muli %scan3A_18, %mul3A_44 : i32
        %get3A_46 = arith.constant 4 : i32
        %get3A_47 = arith.index_cast %get3A_46 : i32 to index
        %get3A_48 = arith.index_cast %mul3A_45 : i32 to index
        %get3A_49 = tpu.vector_load %arg6[%get3A_47, %get3A_48] {strides = array<i32>} : memref<16x640xf32, #tpu.memory_space<vmem>>, vector<16xf32>,
        %add3A_50 = arith.addf %add3A_43, %get3A_49 : vector<16xf32>
        %mul3A_51 = arith.constant 16 : i32
        %mul3A_52 = arith.muli %scan3A_18, %mul3A_51 : i32
        %get3A_53 = arith.constant 5 : i32
        %get3A_54 = arith.index_cast %get3A_53 : i32 to index
        %get3A_55 = arith.index_cast %mul3A_52 : i32 to index
        %get3A_56 = tpu.vector_load %arg6[%get3A_54, %get3A_55] {strides = array<i32>} : memref<16x640xf32, #tpu.memory_space<vmem>>, vector<16xf32>,
        %add3A_57 = arith.addf %add3A_50, %get3A_56 : vector<16xf32>
        %mul3A_58 = arith.constant 16 : i32
        %mul3A_59 = arith.muli %scan3A_18, %mul3A_58 : i32
        %get3A_60 = arith.constant 6 : i32
        %get3A_61 = arith.index_cast %get3A_60 : i32 to index
        %get3A_62 = arith.index_cast %mul3A_59 : i32 to index
        %get3A_63 = tpu.vector_load %arg6[%get3A_61, %get3A_62] {strides = array<i32>} : memref<16x640xf32, #tpu.memory_space<vmem>>, vector<16xf32>,
        %add3A_64 = arith.addf %add3A_57, %get3A_63 : vector<16xf32>
        %mul3A_65 = arith.constant 16 : i32
        %mul3A_66 = arith.muli %scan3A_18, %mul3A_65 : i32
        %get3A_67 = arith.constant 7 : i32
        %get3A_68 = arith.index_cast %get3A_67 : i32 to index
        %get3A_69 = arith.index_cast %mul3A_66 : i32 to index
        %get3A_70 = tpu.vector_load %arg6[%get3A_68, %get3A_69] {strides = array<i32>} : memref<16x640xf32, #tpu.memory_space<vmem>>, vector<16xf32>,
        %add3A_71 = arith.addf %add3A_64, %get3A_70 : vector<16xf32>
        %mul3A_72 = arith.constant 16 : i32
        %mul3A_73 = arith.muli %scan3A_18, %mul3A_72 : i32
        %get3A_74 = arith.constant 8 : i32
        %get3A_75 = arith.index_cast %get3A_74 : i32 to index
        %get3A_76 = arith.index_cast %mul3A_73 : i32 to index
        %get3A_77 = tpu.vector_load %arg6[%get3A_75, %get3A_76] {strides = array<i32>} : memref<16x640xf32, #tpu.memory_space<vmem>>, vector<16xf32>,
        %add3A_78 = arith.addf %add3A_71, %get3A_77 : vector<16xf32>
        %mul3A_79 = arith.constant 16 : i32
        %mul3A_80 = arith.muli %scan3A_18, %mul3A_79 : i32
        %get3A_81 = arith.constant 9 : i32
        %get3A_82 = arith.index_cast %get3A_81 : i32 to index
        %get3A_83 = arith.index_cast %mul3A_80 : i32 to index
        %get3A_84 = tpu.vector_load %arg6[%get3A_82, %get3A_83] {strides = array<i32>} : memref<16x640xf32, #tpu.memory_space<vmem>>, vector<16xf32>,
        %add3A_85 = arith.addf %add3A_78, %get3A_84 : vector<16xf32>
        %mul3A_86 = arith.constant 16 : i32
        %mul3A_87 = arith.muli %scan3A_18, %mul3A_86 : i32
        %get3A_88 = arith.constant 10 : i32
        %get3A_89 = arith.index_cast %get3A_88 : i32 to index
        %get3A_90 = arith.index_cast %mul3A_87 : i32 to index
        %get3A_91 = tpu.vector_load %arg6[%get3A_89, %get3A_90] {strides = array<i32>} : memref<16x640xf32, #tpu.memory_space<vmem>>, vector<16xf32>,
        %add3A_92 = arith.addf %add3A_85, %get3A_91 : vector<16xf32>
        %mul3A_93 = arith.constant 16 : i32
        %mul3A_94 = arith.muli %scan3A_18, %mul3A_93 : i32
        %get3A_95 = arith.constant 11 : i32
        %get3A_96 = arith.index_cast %get3A_95 : i32 to index
        %get3A_97 = arith.index_cast %mul3A_94 : i32 to index
        %get3A_98 = tpu.vector_load %arg6[%get3A_96, %get3A_97] {strides = array<i32>} : memref<16x640xf32, #tpu.memory_space<vmem>>, vector<16xf32>,
        %add3A_99 = arith.addf %add3A_92, %get3A_98 : vector<16xf32>
        %mul3A_100 = arith.constant 16 : i32
        %mul3A_101 = arith.muli %scan3A_18, %mul3A_100 : i32
        %get3A_102 = arith.constant 12 : i32
        %get3A_103 = arith.index_cast %get3A_102 : i32 to index
        %get3A_104 = arith.index_cast %mul3A_101 : i32 to index
        %get3A_105 = tpu.vector_load %arg6[%get3A_103, %get3A_104] {strides = array<i32>} : memref<16x640xf32, #tpu.memory_space<vmem>>, vector<16xf32>,
        %add3A_106 = arith.addf %add3A_99, %get3A_105 : vector<16xf32>
        %mul3A_107 = arith.constant 16 : i32
        %mul3A_108 = arith.muli %scan3A_18, %mul3A_107 : i32
        %get3A_109 = arith.constant 13 : i32
        %get3A_110 = arith.index_cast %get3A_109 : i32 to index
        %get3A_111 = arith.index_cast %mul3A_108 : i32 to index
        %get3A_112 = tpu.vector_load %arg6[%get3A_110, %get3A_111] {strides = array<i32>} : memref<16x640xf32, #tpu.memory_space<vmem>>, vector<16xf32>,
        %add3A_113 = arith.addf %add3A_106, %get3A_112 : vector<16xf32>
        %mul3A_114 = arith.constant 16 : i32
        %mul3A_115 = arith.muli %scan3A_18, %mul3A_114 : i32
        %get3A_116 = arith.constant 14 : i32
        %get3A_117 = arith.index_cast %get3A_116 : i32 to index
        %get3A_118 = arith.index_cast %mul3A_115 : i32 to index
        %get3A_119 = tpu.vector_load %arg6[%get3A_117, %get3A_118] {strides = array<i32>} : memref<16x640xf32, #tpu.memory_space<vmem>>, vector<16xf32>,
        %add3A_120 = arith.addf %add3A_113, %get3A_119 : vector<16xf32>
        %mul3A_121 = arith.constant 16 : i32
        %mul3A_122 = arith.muli %scan3A_18, %mul3A_121 : i32
        %get3A_123 = arith.constant 15 : i32
        %get3A_124 = arith.index_cast %get3A_123 : i32 to index
        %get3A_125 = arith.index_cast %mul3A_122 : i32 to index
        %get3A_126 = tpu.vector_load %arg6[%get3A_124, %get3A_125] {strides = array<i32>} : memref<16x640xf32, #tpu.memory_space<vmem>>, vector<16xf32>,
        %add3A_127 = arith.addf %add3A_120, %get3A_126 : vector<16xf32>
        %mul3A_128 = arith.constant 16 : i32
        %mul3A_129 = arith.muli %scan3A_18, %mul3A_128 : i32
        %swap3A = arith.index_cast %mul3A_129 : i32 to index
        %swap3A_130 = tpu.vector_load %arg7[%swap3A] {strides = array<i32>} : memref<640xf32, #tpu.memory_space<vmem>>, vector<16xf32>,
        tpu.vector_store %arg7[%swap3A], %add3A_127 {strides = array<i32>} : memref<640xf32, #tpu.memory_space<vmem>>, vector<16xf32>,
      }
      %scan3A_15 = arith.constant 40 : i32
      %mul3A_16 = arith.constant 640 : i32
      %mul3A_17 = arith.muli %arg1, %mul3A_16 : i32
      "tpu.region"() ({
        %run_scoped3A = tpu.sem_alloc : memref<!tpu.dma_semaphore, #tpu.memory_space<semaphore_mem>>
        %dma_start3A = tpu.memref_slice %arg3[%mul3A_17] : memref<10240xf32, #tpu.memory_space<hbm>> -> memref<640xf32, #tpu.memory_space<hbm>>
        %dma_start3A_18 = tpu.memref_slice %arg3[%mul3A_17] : memref<10240xf32, #tpu.memory_space<hbm>> -> memref<640xf32, #tpu.memory_space<hbm>>
        tpu.enqueue_dma source(%arg7 : memref<640xf32, #tpu.memory_space<vmem>>) target(%dma_start3A_18 : memref<640xf32, #tpu.memory_space<hbm>>) target_semaphore(%run_scoped3A : memref<!tpu.dma_semaphore, #tpu.memory_space<semaphore_mem>>)
        %dma_wait3A = tpu.memref_slice %arg3[%mul3A_17] : memref<10240xf32, #tpu.memory_space<hbm>> -> memref<640xf32, #tpu.memory_space<hbm>>
        %dma_wait3A_19 = tpu.memref_slice %arg3[%mul3A_17] : memref<10240xf32, #tpu.memory_space<hbm>> -> memref<640xf32, #tpu.memory_space<hbm>>
        tpu.wait_dma2 semaphore(%run_scoped3A : memref<!tpu.dma_semaphore, #tpu.memory_space<semaphore_mem>>) src(%arg7 : memref<640xf32, #tpu.memory_space<vmem>>) dst(%dma_wait3A_19 : memref<640xf32, #tpu.memory_space<hbm>>)
        tpu.yield
      }) : () -> ()
    } else {
    }
    return
  }
}

#map = affine_map<(d0, d1) -> (0)>
#map1 = affine_map<(d0, d1) -> (0, 0)>
#map2 = affine_map<(d0, d1) -> (0, 0, 0)>
module attributes {stable_mosaic.version = 14 : i64} {
  func.func @_scatter_body(%arg0: i32, %arg1: i32, %arg2: memref<323584xi32, #tpu.memory_space<hbm>>, %arg3: memref<323584xi32, #tpu.memory_space<hbm>>, %arg4: memref<10000x128xf32, #tpu.memory_space<hbm>>, %arg5: memref<10240x128xf32, #tpu.memory_space<hbm>>, %arg6: memref<2x10240x128xf32, #tpu.memory_space<hbm>>, %arg7: memref<128xi32, #tpu.memory_space<vmem>>, %arg8: memref<128xi32, #tpu.memory_space<vmem>>, %arg9: memref<128xi32, #tpu.memory_space<vmem>>, %arg10: memref<128xi32, #tpu.memory_space<vmem>>, %arg11: memref<128xi32, #tpu.memory_space<vmem>>, %arg12: memref<128xi32, #tpu.memory_space<vmem>>, %arg13: memref<128xi32, #tpu.memory_space<vmem>>, %arg14: memref<128xi32, #tpu.memory_space<vmem>>, %arg15: memref<128x128xf32, #tpu.memory_space<vmem>>, %arg16: memref<128x128xf32, #tpu.memory_space<vmem>>, %arg17: memref<10240x128xf32, #tpu.memory_space<vmem_shared>>, %arg18: memref<!tpu.dma_semaphore, #tpu.memory_space<semaphore_mem>>, %arg19: memref<!tpu.dma_semaphore, #tpu.memory_space<semaphore_mem>>, %arg20: memref<!tpu.dma_semaphore, #tpu.memory_space<semaphore_mem>>, %arg21: memref<!tpu.dma_semaphore, #tpu.memory_space<semaphore_mem>>) attributes {dimension_semantics = [#tpu.dimension_semantics<core_parallel>, #tpu.dimension_semantics<subcore_parallel>], iteration_bounds = array<i64: 2, 16>, scalar_prefetch = 0 : i64, scratch_operands = 15 : i64, tpu.core_type = #tpu.core_type<sc_vector_subcore>, window_params = [{transform_indices = #map}, {transform_indices = #map}, {transform_indices = #map1}, {transform_indices = #map1}, {transform_indices = #map2}]} {
    %mul3A = arith.constant 2 : i32
    %mul3A_0 = arith.muli %arg1, %mul3A : i32
    %add3A = arith.addi %mul3A_0, %arg0 : i32
    %mul3A_1 = arith.constant 640 : i32
    %mul3A_2 = arith.muli %arg1, %mul3A_1 : i32
    %mul3A_3 = arith.constant 640 : i32
    %mul3A_4 = arith.muli %arg1, %mul3A_3 : i32
    "tpu.region"() ({
      %run_scoped3A = tpu.sem_alloc : memref<!tpu.dma_semaphore, #tpu.memory_space<semaphore_mem>>
      %dma_start3A_47 = arith.constant 0 : i32
      %dma_start3A_48 = tpu.memref_slice %arg17[%mul3A_4, %dma_start3A_47] : memref<10240x128xf32, #tpu.memory_space<vmem_shared>> -> memref<640x128xf32, #tpu.memory_space<vmem_shared>>
      %dma_start3A_49 = arith.constant 0 : i32
      %dma_start3A_50 = tpu.memref_slice %arg5[%mul3A_2, %dma_start3A_49] : memref<10240x128xf32, #tpu.memory_space<hbm>> -> memref<640x128xf32, #tpu.memory_space<hbm>>
      tpu.enqueue_dma source(%dma_start3A_50 : memref<640x128xf32, #tpu.memory_space<hbm>>) target(%dma_start3A_48 : memref<640x128xf32, #tpu.memory_space<vmem_shared>>) target_semaphore(%run_scoped3A : memref<!tpu.dma_semaphore, #tpu.memory_space<semaphore_mem>>)
      %dma_wait3A_51 = arith.constant 0 : i32
      %dma_wait3A_52 = tpu.memref_slice %arg17[%mul3A_4, %dma_wait3A_51] : memref<10240x128xf32, #tpu.memory_space<vmem_shared>> -> memref<640x128xf32, #tpu.memory_space<vmem_shared>>
      %dma_wait3A_53 = arith.constant 0 : i32
      %dma_wait3A_54 = tpu.memref_slice %arg5[%mul3A_2, %dma_wait3A_53] : memref<10240x128xf32, #tpu.memory_space<hbm>> -> memref<640x128xf32, #tpu.memory_space<hbm>>
      tpu.wait_dma2 semaphore(%run_scoped3A : memref<!tpu.dma_semaphore, #tpu.memory_space<semaphore_mem>>) src(%dma_wait3A_54 : memref<640x128xf32, #tpu.memory_space<hbm>>) dst(%dma_wait3A_52 : memref<640x128xf32, #tpu.memory_space<vmem_shared>>)
      tpu.yield
    }) : () -> ()
    %barrier3A = arith.constant 0 : index
    tpu.barrier barrier_id(%barrier3A)
    %mul3A_5 = arith.constant 10112 : i32
    %mul3A_6 = arith.muli %add3A, %mul3A_5 : i32
    %add3A_7 = arith.constant 0 : i32
    %add3A_8 = arith.addi %mul3A_6, %add3A_7 : i32
    %multiple_of3A = tpu.assume_multiple %add3A_8, 8 : i32
    "tpu.region"() ({
      %run_scoped3A = tpu.sem_alloc : memref<!tpu.dma_semaphore, #tpu.memory_space<semaphore_mem>>
      %dma_start3A_47 = tpu.memref_slice %arg2[%multiple_of3A] : memref<323584xi32, #tpu.memory_space<hbm>> -> memref<128xi32, #tpu.memory_space<hbm>>
      %dma_start3A_48 = tpu.memref_slice %arg2[%multiple_of3A] : memref<323584xi32, #tpu.memory_space<hbm>> -> memref<128xi32, #tpu.memory_space<hbm>>
      tpu.enqueue_dma source(%dma_start3A_48 : memref<128xi32, #tpu.memory_space<hbm>>) target(%arg7 : memref<128xi32, #tpu.memory_space<vmem>>) target_semaphore(%run_scoped3A : memref<!tpu.dma_semaphore, #tpu.memory_space<semaphore_mem>>)
      %dma_wait3A_49 = tpu.memref_slice %arg2[%multiple_of3A] : memref<323584xi32, #tpu.memory_space<hbm>> -> memref<128xi32, #tpu.memory_space<hbm>>
      %dma_wait3A_50 = tpu.memref_slice %arg2[%multiple_of3A] : memref<323584xi32, #tpu.memory_space<hbm>> -> memref<128xi32, #tpu.memory_space<hbm>>
      tpu.wait_dma2 semaphore(%run_scoped3A : memref<!tpu.dma_semaphore, #tpu.memory_space<semaphore_mem>>) src(%dma_wait3A_50 : memref<128xi32, #tpu.memory_space<hbm>>) dst(%arg7 : memref<128xi32, #tpu.memory_space<vmem>>)
      tpu.yield
    }) : () -> ()
    "tpu.region"() ({
      %run_scoped3A = tpu.sem_alloc : memref<!tpu.dma_semaphore, #tpu.memory_space<semaphore_mem>>
      %dma_start3A_47 = tpu.memref_slice %arg3[%multiple_of3A] : memref<323584xi32, #tpu.memory_space<hbm>> -> memref<128xi32, #tpu.memory_space<hbm>>
      %dma_start3A_48 = tpu.memref_slice %arg3[%multiple_of3A] : memref<323584xi32, #tpu.memory_space<hbm>> -> memref<128xi32, #tpu.memory_space<hbm>>
      tpu.enqueue_dma source(%dma_start3A_48 : memref<128xi32, #tpu.memory_space<hbm>>) target(%arg11 : memref<128xi32, #tpu.memory_space<vmem>>) target_semaphore(%run_scoped3A : memref<!tpu.dma_semaphore, #tpu.memory_space<semaphore_mem>>)
      %dma_wait3A_49 = tpu.memref_slice %arg3[%multiple_of3A] : memref<323584xi32, #tpu.memory_space<hbm>> -> memref<128xi32, #tpu.memory_space<hbm>>
      %dma_wait3A_50 = tpu.memref_slice %arg3[%multiple_of3A] : memref<323584xi32, #tpu.memory_space<hbm>> -> memref<128xi32, #tpu.memory_space<hbm>>
      tpu.wait_dma2 semaphore(%run_scoped3A : memref<!tpu.dma_semaphore, #tpu.memory_space<semaphore_mem>>) src(%dma_wait3A_50 : memref<128xi32, #tpu.memory_space<hbm>>) dst(%arg11 : memref<128xi32, #tpu.memory_space<vmem>>)
      tpu.yield
    }) : () -> ()
    %dma_start3A = arith.constant 0 : i32
    %dma_start3A_9 = arith.constant 0 : i32
    %dma_start3A_10 = tpu.memref_slice %arg4[%dma_start3A, %dma_start3A_9] : memref<10000x128xf32, #tpu.memory_space<hbm>> -> memref<10000x128xf32, #tpu.memory_space<hbm>>
    tpu.enqueue_indirect_dma source(%dma_start3A_10 : memref<10000x128xf32, #tpu.memory_space<hbm>>) target(%arg15 : memref<128x128xf32, #tpu.memory_space<vmem>>) offsets(%arg7 : memref<128xi32, #tpu.memory_space<vmem>>) semaphore(%arg18 : memref<!tpu.dma_semaphore, #tpu.memory_space<semaphore_mem>>)
    %add3A_11 = arith.constant 128 : i32
    %add3A_12 = arith.addi %mul3A_6, %add3A_11 : i32
    %multiple_of3A_13 = tpu.assume_multiple %add3A_12, 8 : i32
    "tpu.region"() ({
      %run_scoped3A = tpu.sem_alloc : memref<!tpu.dma_semaphore, #tpu.memory_space<semaphore_mem>>
      %dma_start3A_47 = tpu.memref_slice %arg2[%multiple_of3A_13] : memref<323584xi32, #tpu.memory_space<hbm>> -> memref<128xi32, #tpu.memory_space<hbm>>
      %dma_start3A_48 = tpu.memref_slice %arg2[%multiple_of3A_13] : memref<323584xi32, #tpu.memory_space<hbm>> -> memref<128xi32, #tpu.memory_space<hbm>>
      tpu.enqueue_dma source(%dma_start3A_48 : memref<128xi32, #tpu.memory_space<hbm>>) target(%arg8 : memref<128xi32, #tpu.memory_space<vmem>>) target_semaphore(%run_scoped3A : memref<!tpu.dma_semaphore, #tpu.memory_space<semaphore_mem>>)
      %dma_wait3A_49 = tpu.memref_slice %arg2[%multiple_of3A_13] : memref<323584xi32, #tpu.memory_space<hbm>> -> memref<128xi32, #tpu.memory_space<hbm>>
      %dma_wait3A_50 = tpu.memref_slice %arg2[%multiple_of3A_13] : memref<323584xi32, #tpu.memory_space<hbm>> -> memref<128xi32, #tpu.memory_space<hbm>>
      tpu.wait_dma2 semaphore(%run_scoped3A : memref<!tpu.dma_semaphore, #tpu.memory_space<semaphore_mem>>) src(%dma_wait3A_50 : memref<128xi32, #tpu.memory_space<hbm>>) dst(%arg8 : memref<128xi32, #tpu.memory_space<vmem>>)
      tpu.yield
    }) : () -> ()
    "tpu.region"() ({
      %run_scoped3A = tpu.sem_alloc : memref<!tpu.dma_semaphore, #tpu.memory_space<semaphore_mem>>
      %dma_start3A_47 = tpu.memref_slice %arg3[%multiple_of3A_13] : memref<323584xi32, #tpu.memory_space<hbm>> -> memref<128xi32, #tpu.memory_space<hbm>>
      %dma_start3A_48 = tpu.memref_slice %arg3[%multiple_of3A_13] : memref<323584xi32, #tpu.memory_space<hbm>> -> memref<128xi32, #tpu.memory_space<hbm>>
      tpu.enqueue_dma source(%dma_start3A_48 : memref<128xi32, #tpu.memory_space<hbm>>) target(%arg12 : memref<128xi32, #tpu.memory_space<vmem>>) target_semaphore(%run_scoped3A : memref<!tpu.dma_semaphore, #tpu.memory_space<semaphore_mem>>)
      %dma_wait3A_49 = tpu.memref_slice %arg3[%multiple_of3A_13] : memref<323584xi32, #tpu.memory_space<hbm>> -> memref<128xi32, #tpu.memory_space<hbm>>
      %dma_wait3A_50 = tpu.memref_slice %arg3[%multiple_of3A_13] : memref<323584xi32, #tpu.memory_space<hbm>> -> memref<128xi32, #tpu.memory_space<hbm>>
      tpu.wait_dma2 semaphore(%run_scoped3A : memref<!tpu.dma_semaphore, #tpu.memory_space<semaphore_mem>>) src(%dma_wait3A_50 : memref<128xi32, #tpu.memory_space<hbm>>) dst(%arg12 : memref<128xi32, #tpu.memory_space<vmem>>)
      tpu.yield
    }) : () -> ()
    %dma_start3A_14 = arith.constant 0 : i32
    %dma_start3A_15 = arith.constant 0 : i32
    %dma_start3A_16 = tpu.memref_slice %arg4[%dma_start3A_14, %dma_start3A_15] : memref<10000x128xf32, #tpu.memory_space<hbm>> -> memref<10000x128xf32, #tpu.memory_space<hbm>>
    tpu.enqueue_indirect_dma source(%dma_start3A_16 : memref<10000x128xf32, #tpu.memory_space<hbm>>) target(%arg16 : memref<128x128xf32, #tpu.memory_space<vmem>>) offsets(%arg8 : memref<128xi32, #tpu.memory_space<vmem>>) semaphore(%arg19 : memref<!tpu.dma_semaphore, #tpu.memory_space<semaphore_mem>>)
    %scan3A = arith.constant 0 : i32
    %scan3A_17 = arith.constant 0 : i32
    %scan3A_18 = arith.constant 39 : i32
    %scan3A_19 = arith.addi %scan3A_17, %scan3A_18 : i32
    %scan3A_20 = arith.constant 1 : i32
    scf.for %scan3A_47 = %scan3A_17 to %scan3A_19 step %scan3A_20  : i32 {
      %mul3A_48 = arith.constant 2 : i32
      %mul3A_49 = arith.muli %scan3A_47, %mul3A_48 : i32
      %add3A_50 = arith.constant 0 : i32
      %add3A_51 = arith.addi %mul3A_49, %add3A_50 : i32
      %dma_wait3A_52 = arith.constant 0 : i32
      %dma_wait3A_53 = arith.constant 0 : i32
      %dma_wait3A_54 = tpu.memref_slice %arg4[%dma_wait3A_52, %dma_wait3A_53] : memref<10000x128xf32, #tpu.memory_space<hbm>> -> memref<10000x128xf32, #tpu.memory_space<hbm>>
      tpu.wait_indirect_dma semaphore(%arg18 : memref<!tpu.dma_semaphore, #tpu.memory_space<semaphore_mem>>) src(%dma_wait3A_54 : memref<10000x128xf32, #tpu.memory_space<hbm>>) dst(%arg15 : memref<128x128xf32, #tpu.memory_space<vmem>>)
      %dma_start3A_55 = arith.constant 0 : i32
      %dma_start3A_56 = arith.constant 0 : i32
      %dma_start3A_57 = tpu.memref_slice %arg17[%dma_start3A_55, %dma_start3A_56] : memref<10240x128xf32, #tpu.memory_space<vmem_shared>> -> memref<10240x128xf32, #tpu.memory_space<vmem_shared>>
      tpu.enqueue_indirect_dma source(%arg15 : memref<128x128xf32, #tpu.memory_space<vmem>>) target(%dma_start3A_57 : memref<10240x128xf32, #tpu.memory_space<vmem_shared>>) offsets(%arg11 : memref<128xi32, #tpu.memory_space<vmem>>) semaphore(%arg20 : memref<!tpu.dma_semaphore, #tpu.memory_space<semaphore_mem>>) {add = true}
      %add3A_58 = arith.constant 2 : i32
      %add3A_59 = arith.addi %add3A_51, %add3A_58 : i32
      %lt3A = arith.constant 78 : i32
      %lt3A_60 = arith.cmpi slt, %add3A_59, %lt3A : i32
      %convert_element_type3A = arith.extui %lt3A_60 : i1 to i32
      %cond3A = arith.constant 0 : i32
      %cond3A_61 = arith.cmpi ne, %convert_element_type3A, %cond3A : i32
      scf.if %cond3A_61 {
        %dma_wait3A_79 = arith.constant 0 : i32
        %dma_wait3A_80 = arith.constant 0 : i32
        %dma_wait3A_81 = tpu.memref_slice %arg17[%dma_wait3A_79, %dma_wait3A_80] : memref<10240x128xf32, #tpu.memory_space<vmem_shared>> -> memref<10240x128xf32, #tpu.memory_space<vmem_shared>>
        tpu.wait_indirect_dma semaphore(%arg20 : memref<!tpu.dma_semaphore, #tpu.memory_space<semaphore_mem>>) src(%arg15 : memref<128x128xf32, #tpu.memory_space<vmem>>) dst(%dma_wait3A_81 : memref<10240x128xf32, #tpu.memory_space<vmem_shared>>)
        %add3A_82 = arith.constant 2 : i32
        %add3A_83 = arith.addi %add3A_51, %add3A_82 : i32
        %mul3A_84 = arith.constant 128 : i32
        %mul3A_85 = arith.muli %add3A_83, %mul3A_84 : i32
        %add3A_86 = arith.addi %mul3A_6, %mul3A_85 : i32
        %multiple_of3A_87 = tpu.assume_multiple %add3A_86, 8 : i32
        "tpu.region"() ({
          %run_scoped3A = tpu.sem_alloc : memref<!tpu.dma_semaphore, #tpu.memory_space<semaphore_mem>>
          %dma_start3A_91 = tpu.memref_slice %arg2[%multiple_of3A_87] : memref<323584xi32, #tpu.memory_space<hbm>> -> memref<128xi32, #tpu.memory_space<hbm>>
          %dma_start3A_92 = tpu.memref_slice %arg2[%multiple_of3A_87] : memref<323584xi32, #tpu.memory_space<hbm>> -> memref<128xi32, #tpu.memory_space<hbm>>
          tpu.enqueue_dma source(%dma_start3A_92 : memref<128xi32, #tpu.memory_space<hbm>>) target(%arg7 : memref<128xi32, #tpu.memory_space<vmem>>) target_semaphore(%run_scoped3A : memref<!tpu.dma_semaphore, #tpu.memory_space<semaphore_mem>>)
          %dma_wait3A_93 = tpu.memref_slice %arg2[%multiple_of3A_87] : memref<323584xi32, #tpu.memory_space<hbm>> -> memref<128xi32, #tpu.memory_space<hbm>>
          %dma_wait3A_94 = tpu.memref_slice %arg2[%multiple_of3A_87] : memref<323584xi32, #tpu.memory_space<hbm>> -> memref<128xi32, #tpu.memory_space<hbm>>
          tpu.wait_dma2 semaphore(%run_scoped3A : memref<!tpu.dma_semaphore, #tpu.memory_space<semaphore_mem>>) src(%dma_wait3A_94 : memref<128xi32, #tpu.memory_space<hbm>>) dst(%arg7 : memref<128xi32, #tpu.memory_space<vmem>>)
          tpu.yield
        }) : () -> ()
        "tpu.region"() ({
          %run_scoped3A = tpu.sem_alloc : memref<!tpu.dma_semaphore, #tpu.memory_space<semaphore_mem>>
          %dma_start3A_91 = tpu.memref_slice %arg3[%multiple_of3A_87] : memref<323584xi32, #tpu.memory_space<hbm>> -> memref<128xi32, #tpu.memory_space<hbm>>
          %dma_start3A_92 = tpu.memref_slice %arg3[%multiple_of3A_87] : memref<323584xi32, #tpu.memory_space<hbm>> -> memref<128xi32, #tpu.memory_space<hbm>>
          tpu.enqueue_dma source(%dma_start3A_92 : memref<128xi32, #tpu.memory_space<hbm>>) target(%arg11 : memref<128xi32, #tpu.memory_space<vmem>>) target_semaphore(%run_scoped3A : memref<!tpu.dma_semaphore, #tpu.memory_space<semaphore_mem>>)
          %dma_wait3A_93 = tpu.memref_slice %arg3[%multiple_of3A_87] : memref<323584xi32, #tpu.memory_space<hbm>> -> memref<128xi32, #tpu.memory_space<hbm>>
          %dma_wait3A_94 = tpu.memref_slice %arg3[%multiple_of3A_87] : memref<323584xi32, #tpu.memory_space<hbm>> -> memref<128xi32, #tpu.memory_space<hbm>>
          tpu.wait_dma2 semaphore(%run_scoped3A : memref<!tpu.dma_semaphore, #tpu.memory_space<semaphore_mem>>) src(%dma_wait3A_94 : memref<128xi32, #tpu.memory_space<hbm>>) dst(%arg11 : memref<128xi32, #tpu.memory_space<vmem>>)
          tpu.yield
        }) : () -> ()
        %dma_start3A_88 = arith.constant 0 : i32
        %dma_start3A_89 = arith.constant 0 : i32
        %dma_start3A_90 = tpu.memref_slice %arg4[%dma_start3A_88, %dma_start3A_89] : memref<10000x128xf32, #tpu.memory_space<hbm>> -> memref<10000x128xf32, #tpu.memory_space<hbm>>
        tpu.enqueue_indirect_dma source(%dma_start3A_90 : memref<10000x128xf32, #tpu.memory_space<hbm>>) target(%arg15 : memref<128x128xf32, #tpu.memory_space<vmem>>) offsets(%arg7 : memref<128xi32, #tpu.memory_space<vmem>>) semaphore(%arg18 : memref<!tpu.dma_semaphore, #tpu.memory_space<semaphore_mem>>)
      } else {
      }
      %mul3A_62 = arith.constant 2 : i32
      %mul3A_63 = arith.muli %scan3A_47, %mul3A_62 : i32
      %add3A_64 = arith.constant 1 : i32
      %add3A_65 = arith.addi %mul3A_63, %add3A_64 : i32
      %dma_wait3A_66 = arith.constant 0 : i32
      %dma_wait3A_67 = arith.constant 0 : i32
      %dma_wait3A_68 = tpu.memref_slice %arg4[%dma_wait3A_66, %dma_wait3A_67] : memref<10000x128xf32, #tpu.memory_space<hbm>> -> memref<10000x128xf32, #tpu.memory_space<hbm>>
      tpu.wait_indirect_dma semaphore(%arg19 : memref<!tpu.dma_semaphore, #tpu.memory_space<semaphore_mem>>) src(%dma_wait3A_68 : memref<10000x128xf32, #tpu.memory_space<hbm>>) dst(%arg16 : memref<128x128xf32, #tpu.memory_space<vmem>>)
      %dma_start3A_69 = arith.constant 0 : i32
      %dma_start3A_70 = arith.constant 0 : i32
      %dma_start3A_71 = tpu.memref_slice %arg17[%dma_start3A_69, %dma_start3A_70] : memref<10240x128xf32, #tpu.memory_space<vmem_shared>> -> memref<10240x128xf32, #tpu.memory_space<vmem_shared>>
      tpu.enqueue_indirect_dma source(%arg16 : memref<128x128xf32, #tpu.memory_space<vmem>>) target(%dma_start3A_71 : memref<10240x128xf32, #tpu.memory_space<vmem_shared>>) offsets(%arg12 : memref<128xi32, #tpu.memory_space<vmem>>) semaphore(%arg21 : memref<!tpu.dma_semaphore, #tpu.memory_space<semaphore_mem>>) {add = true}
      %add3A_72 = arith.constant 2 : i32
      %add3A_73 = arith.addi %add3A_65, %add3A_72 : i32
      %lt3A_74 = arith.constant 78 : i32
      %lt3A_75 = arith.cmpi slt, %add3A_73, %lt3A_74 : i32
      %convert_element_type3A_76 = arith.extui %lt3A_75 : i1 to i32
      %cond3A_77 = arith.constant 0 : i32
      %cond3A_78 = arith.cmpi ne, %convert_element_type3A_76, %cond3A_77 : i32
      scf.if %cond3A_78 {
        %dma_wait3A_79 = arith.constant 0 : i32
        %dma_wait3A_80 = arith.constant 0 : i32
        %dma_wait3A_81 = tpu.memref_slice %arg17[%dma_wait3A_79, %dma_wait3A_80] : memref<10240x128xf32, #tpu.memory_space<vmem_shared>> -> memref<10240x128xf32, #tpu.memory_space<vmem_shared>>
        tpu.wait_indirect_dma semaphore(%arg21 : memref<!tpu.dma_semaphore, #tpu.memory_space<semaphore_mem>>) src(%arg16 : memref<128x128xf32, #tpu.memory_space<vmem>>) dst(%dma_wait3A_81 : memref<10240x128xf32, #tpu.memory_space<vmem_shared>>)
        %add3A_82 = arith.constant 2 : i32
        %add3A_83 = arith.addi %add3A_65, %add3A_82 : i32
        %mul3A_84 = arith.constant 128 : i32
        %mul3A_85 = arith.muli %add3A_83, %mul3A_84 : i32
        %add3A_86 = arith.addi %mul3A_6, %mul3A_85 : i32
        %multiple_of3A_87 = tpu.assume_multiple %add3A_86, 8 : i32
        "tpu.region"() ({
          %run_scoped3A = tpu.sem_alloc : memref<!tpu.dma_semaphore, #tpu.memory_space<semaphore_mem>>
          %dma_start3A_91 = tpu.memref_slice %arg2[%multiple_of3A_87] : memref<323584xi32, #tpu.memory_space<hbm>> -> memref<128xi32, #tpu.memory_space<hbm>>
          %dma_start3A_92 = tpu.memref_slice %arg2[%multiple_of3A_87] : memref<323584xi32, #tpu.memory_space<hbm>> -> memref<128xi32, #tpu.memory_space<hbm>>
          tpu.enqueue_dma source(%dma_start3A_92 : memref<128xi32, #tpu.memory_space<hbm>>) target(%arg8 : memref<128xi32, #tpu.memory_space<vmem>>) target_semaphore(%run_scoped3A : memref<!tpu.dma_semaphore, #tpu.memory_space<semaphore_mem>>)
          %dma_wait3A_93 = tpu.memref_slice %arg2[%multiple_of3A_87] : memref<323584xi32, #tpu.memory_space<hbm>> -> memref<128xi32, #tpu.memory_space<hbm>>
          %dma_wait3A_94 = tpu.memref_slice %arg2[%multiple_of3A_87] : memref<323584xi32, #tpu.memory_space<hbm>> -> memref<128xi32, #tpu.memory_space<hbm>>
          tpu.wait_dma2 semaphore(%run_scoped3A : memref<!tpu.dma_semaphore, #tpu.memory_space<semaphore_mem>>) src(%dma_wait3A_94 : memref<128xi32, #tpu.memory_space<hbm>>) dst(%arg8 : memref<128xi32, #tpu.memory_space<vmem>>)
          tpu.yield
        }) : () -> ()
        "tpu.region"() ({
          %run_scoped3A = tpu.sem_alloc : memref<!tpu.dma_semaphore, #tpu.memory_space<semaphore_mem>>
          %dma_start3A_91 = tpu.memref_slice %arg3[%multiple_of3A_87] : memref<323584xi32, #tpu.memory_space<hbm>> -> memref<128xi32, #tpu.memory_space<hbm>>
          %dma_start3A_92 = tpu.memref_slice %arg3[%multiple_of3A_87] : memref<323584xi32, #tpu.memory_space<hbm>> -> memref<128xi32, #tpu.memory_space<hbm>>
          tpu.enqueue_dma source(%dma_start3A_92 : memref<128xi32, #tpu.memory_space<hbm>>) target(%arg12 : memref<128xi32, #tpu.memory_space<vmem>>) target_semaphore(%run_scoped3A : memref<!tpu.dma_semaphore, #tpu.memory_space<semaphore_mem>>)
          %dma_wait3A_93 = tpu.memref_slice %arg3[%multiple_of3A_87] : memref<323584xi32, #tpu.memory_space<hbm>> -> memref<128xi32, #tpu.memory_space<hbm>>
          %dma_wait3A_94 = tpu.memref_slice %arg3[%multiple_of3A_87] : memref<323584xi32, #tpu.memory_space<hbm>> -> memref<128xi32, #tpu.memory_space<hbm>>
          tpu.wait_dma2 semaphore(%run_scoped3A : memref<!tpu.dma_semaphore, #tpu.memory_space<semaphore_mem>>) src(%dma_wait3A_94 : memref<128xi32, #tpu.memory_space<hbm>>) dst(%arg12 : memref<128xi32, #tpu.memory_space<vmem>>)
          tpu.yield
        }) : () -> ()
        %dma_start3A_88 = arith.constant 0 : i32
        %dma_start3A_89 = arith.constant 0 : i32
        %dma_start3A_90 = tpu.memref_slice %arg4[%dma_start3A_88, %dma_start3A_89] : memref<10000x128xf32, #tpu.memory_space<hbm>> -> memref<10000x128xf32, #tpu.memory_space<hbm>>
        tpu.enqueue_indirect_dma source(%dma_start3A_90 : memref<10000x128xf32, #tpu.memory_space<hbm>>) target(%arg16 : memref<128x128xf32, #tpu.memory_space<vmem>>) offsets(%arg8 : memref<128xi32, #tpu.memory_space<vmem>>) semaphore(%arg19 : memref<!tpu.dma_semaphore, #tpu.memory_space<semaphore_mem>>)
      } else {
      }
    }
    %scan3A_21 = arith.constant 39 : i32
    %dma_wait3A = arith.constant 0 : i32
    %dma_wait3A_22 = arith.constant 0 : i32
    %dma_wait3A_23 = tpu.memref_slice %arg17[%dma_wait3A, %dma_wait3A_22] : memref<10240x128xf32, #tpu.memory_space<vmem_shared>> -> memref<10240x128xf32, #tpu.memory_space<vmem_shared>>
    tpu.wait_indirect_dma semaphore(%arg20 : memref<!tpu.dma_semaphore, #tpu.memory_space<semaphore_mem>>) src(%arg15 : memref<128x128xf32, #tpu.memory_space<vmem>>) dst(%dma_wait3A_23 : memref<10240x128xf32, #tpu.memory_space<vmem_shared>>)
    %add3A_24 = arith.constant 9984 : i32
    %add3A_25 = arith.addi %mul3A_6, %add3A_24 : i32
    %multiple_of3A_26 = tpu.assume_multiple %add3A_25, 8 : i32
    "tpu.region"() ({
      %run_scoped3A = tpu.sem_alloc : memref<!tpu.dma_semaphore, #tpu.memory_space<semaphore_mem>>
      %dma_start3A_47 = tpu.memref_slice %arg2[%multiple_of3A_26] : memref<323584xi32, #tpu.memory_space<hbm>> -> memref<128xi32, #tpu.memory_space<hbm>>
      %dma_start3A_48 = tpu.memref_slice %arg2[%multiple_of3A_26] : memref<323584xi32, #tpu.memory_space<hbm>> -> memref<128xi32, #tpu.memory_space<hbm>>
      tpu.enqueue_dma source(%dma_start3A_48 : memref<128xi32, #tpu.memory_space<hbm>>) target(%arg7 : memref<128xi32, #tpu.memory_space<vmem>>) target_semaphore(%run_scoped3A : memref<!tpu.dma_semaphore, #tpu.memory_space<semaphore_mem>>)
      %dma_wait3A_49 = tpu.memref_slice %arg2[%multiple_of3A_26] : memref<323584xi32, #tpu.memory_space<hbm>> -> memref<128xi32, #tpu.memory_space<hbm>>
      %dma_wait3A_50 = tpu.memref_slice %arg2[%multiple_of3A_26] : memref<323584xi32, #tpu.memory_space<hbm>> -> memref<128xi32, #tpu.memory_space<hbm>>
      tpu.wait_dma2 semaphore(%run_scoped3A : memref<!tpu.dma_semaphore, #tpu.memory_space<semaphore_mem>>) src(%dma_wait3A_50 : memref<128xi32, #tpu.memory_space<hbm>>) dst(%arg7 : memref<128xi32, #tpu.memory_space<vmem>>)
      tpu.yield
    }) : () -> ()
    "tpu.region"() ({
      %run_scoped3A = tpu.sem_alloc : memref<!tpu.dma_semaphore, #tpu.memory_space<semaphore_mem>>
      %dma_start3A_47 = tpu.memref_slice %arg3[%multiple_of3A_26] : memref<323584xi32, #tpu.memory_space<hbm>> -> memref<128xi32, #tpu.memory_space<hbm>>
      %dma_start3A_48 = tpu.memref_slice %arg3[%multiple_of3A_26] : memref<323584xi32, #tpu.memory_space<hbm>> -> memref<128xi32, #tpu.memory_space<hbm>>
      tpu.enqueue_dma source(%dma_start3A_48 : memref<128xi32, #tpu.memory_space<hbm>>) target(%arg11 : memref<128xi32, #tpu.memory_space<vmem>>) target_semaphore(%run_scoped3A : memref<!tpu.dma_semaphore, #tpu.memory_space<semaphore_mem>>)
      %dma_wait3A_49 = tpu.memref_slice %arg3[%multiple_of3A_26] : memref<323584xi32, #tpu.memory_space<hbm>> -> memref<128xi32, #tpu.memory_space<hbm>>
      %dma_wait3A_50 = tpu.memref_slice %arg3[%multiple_of3A_26] : memref<323584xi32, #tpu.memory_space<hbm>> -> memref<128xi32, #tpu.memory_space<hbm>>
      tpu.wait_dma2 semaphore(%run_scoped3A : memref<!tpu.dma_semaphore, #tpu.memory_space<semaphore_mem>>) src(%dma_wait3A_50 : memref<128xi32, #tpu.memory_space<hbm>>) dst(%arg11 : memref<128xi32, #tpu.memory_space<vmem>>)
      tpu.yield
    }) : () -> ()
    %dma_start3A_27 = arith.constant 0 : i32
    %dma_start3A_28 = arith.constant 0 : i32
    %dma_start3A_29 = tpu.memref_slice %arg4[%dma_start3A_27, %dma_start3A_28] : memref<10000x128xf32, #tpu.memory_space<hbm>> -> memref<10000x128xf32, #tpu.memory_space<hbm>>
    tpu.enqueue_indirect_dma source(%dma_start3A_29 : memref<10000x128xf32, #tpu.memory_space<hbm>>) target(%arg15 : memref<128x128xf32, #tpu.memory_space<vmem>>) offsets(%arg7 : memref<128xi32, #tpu.memory_space<vmem>>) semaphore(%arg18 : memref<!tpu.dma_semaphore, #tpu.memory_space<semaphore_mem>>)
    %dma_wait3A_30 = arith.constant 0 : i32
    %dma_wait3A_31 = arith.constant 0 : i32
    %dma_wait3A_32 = tpu.memref_slice %arg4[%dma_wait3A_30, %dma_wait3A_31] : memref<10000x128xf32, #tpu.memory_space<hbm>> -> memref<10000x128xf32, #tpu.memory_space<hbm>>
    tpu.wait_indirect_dma semaphore(%arg18 : memref<!tpu.dma_semaphore, #tpu.memory_space<semaphore_mem>>) src(%dma_wait3A_32 : memref<10000x128xf32, #tpu.memory_space<hbm>>) dst(%arg15 : memref<128x128xf32, #tpu.memory_space<vmem>>)
    %dma_start3A_33 = arith.constant 0 : i32
    %dma_start3A_34 = arith.constant 0 : i32
    %dma_start3A_35 = tpu.memref_slice %arg17[%dma_start3A_33, %dma_start3A_34] : memref<10240x128xf32, #tpu.memory_space<vmem_shared>> -> memref<10240x128xf32, #tpu.memory_space<vmem_shared>>
    tpu.enqueue_indirect_dma source(%arg15 : memref<128x128xf32, #tpu.memory_space<vmem>>) target(%dma_start3A_35 : memref<10240x128xf32, #tpu.memory_space<vmem_shared>>) offsets(%arg11 : memref<128xi32, #tpu.memory_space<vmem>>) semaphore(%arg20 : memref<!tpu.dma_semaphore, #tpu.memory_space<semaphore_mem>>) {add = true}
    %dma_wait3A_36 = arith.constant 0 : i32
    %dma_wait3A_37 = arith.constant 0 : i32
    %dma_wait3A_38 = tpu.memref_slice %arg17[%dma_wait3A_36, %dma_wait3A_37] : memref<10240x128xf32, #tpu.memory_space<vmem_shared>> -> memref<10240x128xf32, #tpu.memory_space<vmem_shared>>
    tpu.wait_indirect_dma semaphore(%arg20 : memref<!tpu.dma_semaphore, #tpu.memory_space<semaphore_mem>>) src(%arg15 : memref<128x128xf32, #tpu.memory_space<vmem>>) dst(%dma_wait3A_38 : memref<10240x128xf32, #tpu.memory_space<vmem_shared>>)
    %dma_wait3A_39 = arith.constant 0 : i32
    %dma_wait3A_40 = arith.constant 0 : i32
    %dma_wait3A_41 = tpu.memref_slice %arg17[%dma_wait3A_39, %dma_wait3A_40] : memref<10240x128xf32, #tpu.memory_space<vmem_shared>> -> memref<10240x128xf32, #tpu.memory_space<vmem_shared>>
    tpu.wait_indirect_dma semaphore(%arg21 : memref<!tpu.dma_semaphore, #tpu.memory_space<semaphore_mem>>) src(%arg16 : memref<128x128xf32, #tpu.memory_space<vmem>>) dst(%dma_wait3A_41 : memref<10240x128xf32, #tpu.memory_space<vmem_shared>>)
    %barrier3A_42 = arith.constant 0 : index
    tpu.barrier barrier_id(%barrier3A_42)
    %mul3A_43 = arith.constant 640 : i32
    %mul3A_44 = arith.muli %arg1, %mul3A_43 : i32
    %mul3A_45 = arith.constant 640 : i32
    %mul3A_46 = arith.muli %arg1, %mul3A_45 : i32
    "tpu.region"() ({
      %run_scoped3A = tpu.sem_alloc : memref<!tpu.dma_semaphore, #tpu.memory_space<semaphore_mem>>
      %dma_start3A_47 = arith.constant 0 : i32
      %dma_start3A_48 = tpu.memref_slice %arg6[%arg0, %mul3A_46, %dma_start3A_47] : memref<2x10240x128xf32, #tpu.memory_space<hbm>> -> memref<1x640x128xf32, #tpu.memory_space<hbm>>
      %dma_start3A_49 = tpu.memref_squeeze %dma_start3A_48 : memref<1x640x128xf32, #tpu.memory_space<hbm>> -> memref<640x128xf32, #tpu.memory_space<hbm>>
      %dma_start3A_50 = arith.constant 0 : i32
      %dma_start3A_51 = tpu.memref_slice %arg17[%mul3A_44, %dma_start3A_50] : memref<10240x128xf32, #tpu.memory_space<vmem_shared>> -> memref<640x128xf32, #tpu.memory_space<vmem_shared>>
      tpu.enqueue_dma source(%dma_start3A_51 : memref<640x128xf32, #tpu.memory_space<vmem_shared>>) target(%dma_start3A_49 : memref<640x128xf32, #tpu.memory_space<hbm>>) target_semaphore(%run_scoped3A : memref<!tpu.dma_semaphore, #tpu.memory_space<semaphore_mem>>)
      %dma_wait3A_52 = arith.constant 0 : i32
      %dma_wait3A_53 = tpu.memref_slice %arg6[%arg0, %mul3A_46, %dma_wait3A_52] : memref<2x10240x128xf32, #tpu.memory_space<hbm>> -> memref<1x640x128xf32, #tpu.memory_space<hbm>>
      %dma_wait3A_54 = tpu.memref_squeeze %dma_wait3A_53 : memref<1x640x128xf32, #tpu.memory_space<hbm>> -> memref<640x128xf32, #tpu.memory_space<hbm>>
      %dma_wait3A_55 = arith.constant 0 : i32
      %dma_wait3A_56 = tpu.memref_slice %arg17[%mul3A_44, %dma_wait3A_55] : memref<10240x128xf32, #tpu.memory_space<vmem_shared>> -> memref<640x128xf32, #tpu.memory_space<vmem_shared>>
      tpu.wait_dma2 semaphore(%run_scoped3A : memref<!tpu.dma_semaphore, #tpu.memory_space<semaphore_mem>>) src(%dma_wait3A_56 : memref<640x128xf32, #tpu.memory_space<vmem_shared>>) dst(%dma_wait3A_54 : memref<640x128xf32, #tpu.memory_space<hbm>>)
      tpu.yield
    }) : () -> ()
    return
  }
}

module attributes {stable_mosaic.version = 14 : i64} {
  func.func @_scale_body(%arg0: i32, %arg1: memref<400x128xf32, #tpu.memory_space<vmem>>, %arg2: memref<400x1xf32, #tpu.memory_space<vmem>>, %arg3: memref<400x128xf32, #tpu.memory_space<vmem>>) attributes {dimension_semantics = [#tpu.dimension_semantics<arbitrary>], iteration_bounds = array<i64: 25>, scalar_prefetch = 0 : i64, scratch_operands = 0 : i64, tpu.core_type = #tpu.core_type<tc>, window_params = [{transform_indices = @transform_0, window_bounds = array<i64: 400, 128>}, {transform_indices = @transform_1, window_bounds = array<i64: 400, 1>}, {transform_indices = @transform_2, window_bounds = array<i64: 400, 128>}]} {
    %get3A = arith.constant 0 : index
    %get3A_0 = arith.constant 0 : index
    %get3A_1 = vector.load %arg2[%get3A, %get3A_0] : memref<400x1xf32, #tpu.memory_space<vmem>>, vector<400x1xf32>
    %add3A = arith.constant 1.000000e+00 : f32
    %add3A_2 = vector.broadcast %add3A : f32 to vector<400x1xf32>
    %add3A_3 = arith.addf %get3A_1, %add3A_2 : vector<400x1xf32>
    %get3A_4 = arith.constant 0 : index
    %get3A_5 = arith.constant 0 : index
    %get3A_6 = vector.load %arg1[%get3A_4, %get3A_5] : memref<400x128xf32, #tpu.memory_space<vmem>>, vector<400x128xf32>
    %rsqrt3A = math.rsqrt %add3A_3 : vector<400x1xf32>
    %mul3A = vector.broadcast %rsqrt3A : vector<400x1xf32> to vector<400x128xf32>
    %mul3A_7 = arith.mulf %get3A_6, %mul3A : vector<400x128xf32>
    %swap3A = arith.constant 0 : index
    %swap3A_8 = arith.constant 0 : index
    %swap3A_9 = vector.load %arg3[%swap3A, %swap3A_8] : memref<400x128xf32, #tpu.memory_space<vmem>>, vector<400x128xf32>
    tpu.vector_store %arg3[%swap3A, %swap3A_8], %mul3A_7 {strides = array<i32>} : memref<400x128xf32, #tpu.memory_space<vmem>>, vector<400x128xf32>,
    return
  }
  func.func @transform_0(%arg0: i32) -> (i32, i32) {
    %c0_i32 = arith.constant 0 : i32
    %c0_i32_0 = arith.constant 0 : i32
    return %arg0, %c0_i32 : i32, i32
  }
  func.func @transform_1(%arg0: i32) -> (i32, i32) {
    %c0_i32 = arith.constant 0 : i32
    %c0_i32_0 = arith.constant 0 : i32
    return %arg0, %c0_i32 : i32, i32
  }
  func.func @transform_2(%arg0: i32) -> (i32, i32) {
    %c0_i32 = arith.constant 0 : i32
    %c0_i32_0 = arith.constant 0 : i32
    return %arg0, %c0_i32 : i32, i32
  }
}

module attributes {stable_mosaic.version = 14 : i64} {
  func.func @_out_body(%arg0: i32, %arg1: memref<2x400x128xf32, #tpu.memory_space<vmem>>, %arg2: memref<400x128xf32, #tpu.memory_space<vmem>>, %arg3: memref<400x1xf32, #tpu.memory_space<vmem>>, %arg4: memref<128x256xf32, #tpu.memory_space<vmem>>, %arg5: memref<1x256xf32, #tpu.memory_space<vmem>>, %arg6: memref<400x256xf32, #tpu.memory_space<vmem>>) attributes {dimension_semantics = [#tpu.dimension_semantics<arbitrary>], iteration_bounds = array<i64: 25>, scalar_prefetch = 0 : i64, scratch_operands = 0 : i64, tpu.core_type = #tpu.core_type<tc>, window_params = [{transform_indices = @transform_0, window_bounds = array<i64: 2, 400, 128>}, {transform_indices = @transform_1, window_bounds = array<i64: 400, 128>}, {transform_indices = @transform_2, window_bounds = array<i64: 400, 1>}, {pipeline_mode = #tpu.pipeline_mode<synchronous>, transform_indices = @transform_3, window_bounds = array<i64: 128, 256>}, {pipeline_mode = #tpu.pipeline_mode<synchronous>, transform_indices = @transform_4, window_bounds = array<i64: 1, 256>}, {transform_indices = @transform_5, window_bounds = array<i64: 400, 256>}]} {
    %get3A = arith.constant 0 : index
    %get3A_0 = arith.constant 0 : index
    %get3A_1 = vector.load %arg3[%get3A, %get3A_0] : memref<400x1xf32, #tpu.memory_space<vmem>>, vector<400x1xf32>
    %add3A = arith.constant 1.000000e+00 : f32
    %add3A_2 = vector.broadcast %add3A : f32 to vector<400x1xf32>
    %add3A_3 = arith.addf %get3A_1, %add3A_2 : vector<400x1xf32>
    %get3A_4 = arith.constant 0 : index
    %get3A_5 = arith.constant 0 : index
    %get3A_6 = arith.constant 0 : index
    %get3A_7 = vector.load %arg1[%get3A_4, %get3A_5, %get3A_6] : memref<2x400x128xf32, #tpu.memory_space<vmem>>, vector<1x400x128xf32>
    %get3A_8 = vector.shape_cast %get3A_7 : vector<1x400x128xf32> to vector<400x128xf32>
    %get3A_9 = arith.constant 1 : index
    %get3A_10 = arith.constant 0 : index
    %get3A_11 = arith.constant 0 : index
    %get3A_12 = vector.load %arg1[%get3A_9, %get3A_10, %get3A_11] : memref<2x400x128xf32, #tpu.memory_space<vmem>>, vector<1x400x128xf32>
    %get3A_13 = vector.shape_cast %get3A_12 : vector<1x400x128xf32> to vector<400x128xf32>
    %add3A_14 = arith.addf %get3A_8, %get3A_13 : vector<400x128xf32>
    %rsqrt3A = math.rsqrt %add3A_3 : vector<400x1xf32>
    %mul3A = vector.broadcast %rsqrt3A : vector<400x1xf32> to vector<400x128xf32>
    %mul3A_15 = arith.mulf %add3A_14, %mul3A : vector<400x128xf32>
    %get3A_16 = arith.constant 0 : index
    %get3A_17 = arith.constant 0 : index
    %get3A_18 = vector.load %arg2[%get3A_16, %get3A_17] : memref<400x128xf32, #tpu.memory_space<vmem>>, vector<400x128xf32>
    %div3A = vector.broadcast %add3A_3 : vector<400x1xf32> to vector<400x128xf32>
    %div3A_19 = arith.divf %get3A_18, %div3A : vector<400x128xf32>
    %add3A_20 = arith.addf %mul3A_15, %div3A_19 : vector<400x128xf32>
    %get3A_21 = arith.constant 0 : index
    %get3A_22 = arith.constant 0 : index
    %get3A_23 = vector.load %arg4[%get3A_21, %get3A_22] : memref<128x256xf32, #tpu.memory_space<vmem>>, vector<128x256xf32>
    %dot_general3A = arith.constant dense<0.000000e+00> : vector<400x256xf32>
    %dot_general3A_24 = tpu.matmul %add3A_20, %get3A_23, %dot_general3A {dimension_numbers = #tpu.dot_dimension_numbers<[1], [0], [0], [1], [0, 0, 1, 1], [], []>, transpose_lhs_hint = false} : vector<400x128xf32>, vector<128x256xf32>, vector<400x256xf32> -> vector<400x256xf32>
    %get3A_25 = arith.constant 0 : index
    %get3A_26 = arith.constant 0 : index
    %get3A_27 = vector.load %arg5[%get3A_25, %get3A_26] : memref<1x256xf32, #tpu.memory_space<vmem>>, vector<1x256xf32>
    %add3A_28 = vector.broadcast %get3A_27 : vector<1x256xf32> to vector<400x256xf32>
    %add3A_29 = arith.addf %dot_general3A_24, %add3A_28 : vector<400x256xf32>
    %swap3A = arith.constant 0 : index
    %swap3A_30 = arith.constant 0 : index
    %swap3A_31 = vector.load %arg6[%swap3A, %swap3A_30] : memref<400x256xf32, #tpu.memory_space<vmem>>, vector<400x256xf32>
    tpu.vector_store %arg6[%swap3A, %swap3A_30], %add3A_29 {strides = array<i32>} : memref<400x256xf32, #tpu.memory_space<vmem>>, vector<400x256xf32>,
    return
  }
  func.func @transform_0(%arg0: i32) -> (i32, i32, i32) {
    %c0_i32 = arith.constant 0 : i32
    %c0_i32_0 = arith.constant 0 : i32
    %c0_i32_1 = arith.constant 0 : i32
    return %c0_i32, %arg0, %c0_i32_0 : i32, i32, i32
  }
  func.func @transform_1(%arg0: i32) -> (i32, i32) {
    %c0_i32 = arith.constant 0 : i32
    %c0_i32_0 = arith.constant 0 : i32
    return %arg0, %c0_i32 : i32, i32
  }
  func.func @transform_2(%arg0: i32) -> (i32, i32) {
    %c0_i32 = arith.constant 0 : i32
    %c0_i32_0 = arith.constant 0 : i32
    return %arg0, %c0_i32 : i32, i32
  }
  func.func @transform_3(%arg0: i32) -> (i32, i32) {
    %c0_i32 = arith.constant 0 : i32
    %c0_i32_0 = arith.constant 0 : i32
    %c0_i32_1 = arith.constant 0 : i32
    return %c0_i32, %c0_i32_0 : i32, i32
  }
  func.func @transform_4(%arg0: i32) -> (i32, i32) {
    %c0_i32 = arith.constant 0 : i32
    %c0_i32_0 = arith.constant 0 : i32
    %c0_i32_1 = arith.constant 0 : i32
    return %c0_i32, %c0_i32_0 : i32, i32
  }
  func.func @transform_5(%arg0: i32) -> (i32, i32) {
    %c0_i32 = arith.constant 0 : i32
    %c0_i32_0 = arith.constant 0 : i32
    return %arg0, %c0_i32 : i32, i32
  }
}

</mosaic_0001>

<sc_bundles>
// kernel: kernel.6.cloned.1.call-start
scs
__scs_entry_jumppad:
0x0: {  	(pc) =	sbr.rel $0x88, $3  }
0x1: {  	(tag) =	ssettag $0x0;
	lr =	simm.s32 $0x1  }
0x2: {  	[smem:$0x3F9D] =	sst lr;
	_ =	strace $0xD0000000  }
0x3: {  	_ = 	snop  }
0x4: {  	_ = 	snop  }
0x5: {  	_ = 	snop  }
0x6: {  	_ = 	snop  }
0x7: {  	_ = 	snop  }
__scs_overlays_trampoline_lowered:
0x8: {  	[smem:$0x3FAC] =	sst s0  }
0x9: {  	[smem:$0x3FAD] =	sst s1  }
0xa: {  	[smem:$0x3FAE] =	sst s2  }
0xb: {  	[smem:$0x3FAF] =	sst s3  }
0xc: {  	[smem:$0x3FB0] =	sst s4  }
0xd: {  	[smem:$0x3FB1] =	sst s5  }
0xe: {  	[smem:$0x3FB2] =	sst s6  }
0xf: {  	[smem:$0x3FB3] =	sst s7  }
0x10: {  	[smem:$0x3FB4] =	sst s8  }
0x11: {  	[smem:$0x3FB5] =	sst s9;
	s0 =	simm.s32 @!p0 $0x0  }
0x12: {  	s1 =	sld [smem:$0x3F9B];
	s0 =	simm.s32 @p0 $0x1  }
0x13: {  	[smem:$0x3FB6] =	sst s0;
	s0 =	simm.s32 @!p1 $0x0  }
0x14: {  	s2 =	sld [smem:$0x3F9A];
	s0 =	simm.s32 @p1 $0x1  }
0x15: {  	[smem:$0x3FB7] =	sst s0;
	s0 =	simm.s32 @!p2 $0x0  }
0x16: {  	s3 =	sld [smem:$0x3FDB];
	s0 =	simm.s32 @p2 $0x1  }
0x17: {  	s4 =	simm.s32 $0x1BF5;
	[smem:$0x3FB9] =	sst s0  }
0x18: {  	s0 =	sld [smem:$0x3F9C];
	_ =	swait.ge [sflag:s4], $0x0  }
0x19: {  	s7 =	sld [smem:$0x3F9D]  }
0x1a: {  	s8 =	sadd.s32 $0xFFFFE003, lr  }
0x1b: {  	s9 =	sadd.s32 $0xFFFFFEF7, lr;
	s5 =	simm.s32 $0xFFFFFFFF;
	p2 =	slt.u32 s8, $0xFFFFF086  }
0x1c: {  	p1 =	slt.u32 s9, $0xF7A;
	s5 =	simm.s32 @!p2 $0x0  }
0x1d: {  	s5 =	simm.s32 @p1 $0x1;
	p0 =	seq.s32 s7, s2  }
0x1e: {  	s7 =	smul.u32 @!p0 $0xF7A, s2;
	p2 =	seq.s32 @!p0 s5, $0x0  }
0x1f: {  	s9 =	smul.u32 $0xF7A, s1;
	s8 =	simm.s32 @!p0 $0x1BF5;
	p2 =	por !p2, p0  }
0x20: {  	[sflag:s8] =	ssyncset.s32 @!p0 $0xFFFFF086;
	s6 =	sadd.s32 @!p0 s3, s7;
	s7 =	simm.s32 @!p0 $0x108  }
0x21: {  	s3 =	sadd.s32 s3, s9;
	s6 =	sadd.s32 @!p0 $0x88, s6;
	s7 =	simm.s32 @p2 $0x1082  }
0x22: {  	[simem:s7], [sflag:s8] =	dma.local @!p0 [hbm:s6], $0xF7A  }
0x23: {  	s9 =	sor.u32 $0xD0000000, s2;
	s6 =	simm.s32 $0x108;
	_ =	swait.ge @!p0 [sflag:s8], $0x0  }
0x24: {  	s3 =	sadd.s32 $0x88, s3;
	s6 =	simm.s32 @!p1 $0x1082;
	[sflag:s4] =	ssyncset.s32 $0xFFFFF086  }
0x25: {  	[simem:s6], [sflag:s4] =	dma.local [hbm:s3], $0xF7A  }
0x26: {  	[smem:$0x3F9D] =	sst s1;
	(tag) =	ssettag s2;
	_ =	strace s9  }
0x27: {  	s1 =	sld [smem:$0x3FAD]  }
0x28: {  	s2 =	sld [smem:$0x3FAE]  }
0x29: {  	s4 =	sld [smem:$0x3FB0]  }
0x2a: {  	p0 =	seq.s32 s5, $0x0;
	s5 =	sld [smem:$0x3FB1]  }
0x2b: {  	s6 =	sld [smem:$0x3FB2]  }
0x2c: {  	s7 =	sld [smem:$0x3FB3]  }
0x2d: {  	s3 =	simm.s32 $0x108;
	s8 =	sld [smem:$0x3FB4]  }
0x2e: {  	s3 =	simm.s32 @!p0 $0x1082;
	s9 =	sld [smem:$0x3FB5]  }
0x2f: {  	lr =	sadd.s32 s0, s3;
	s0 =	sld [smem:$0x3FAC]  }
0x30: {  	s3 =	sld [smem:$0x3FAF]  }
0x31: {  	[smem:$0x3FB8] =	sst s10  }
0x32: {  	s10 =	sld [smem:$0x3FB6];
	_ =	sdelay $0x3  }
0x33: {  	p0 =	seq.s32 s10, $0x1;
	s10 =	sld [smem:$0x3FB8];
	_ =	sdelay $0x3  }
0x34: {  	[smem:$0x3FB8] =	sst s10  }
0x35: {  	s10 =	sld [smem:$0x3FB7];
	_ =	sdelay $0x3  }
0x36: {  	p1 =	seq.s32 s10, $0x1;
	s10 =	sld [smem:$0x3FB8];
	_ =	sdelay $0x3  }
0x37: {  	[smem:$0x3FB8] =	sst s10  }
0x38: {  	s10 =	sld [smem:$0x3FB9]  }
0x39: {  	_ = 	snop;
	(pc) =	sbr.ind lr, $3  }
0x3a: {  	_ = 	snop  }
0x3b: {  	_ = 	snop  }
0x3c: {  	p2 =	seq.s32 s10, $0x1;
	s10 =	sld [smem:$0x3FB8]  }
0x3d: {  	_ =	shalt  }
0x3e: {  	_ =	shalt  }
0x3f: {  	_ =	shalt  }
0x40: {  	_ =	shalt  }
0x41: {  	_ =	shalt  }
0x42: {  	_ =	shalt  }
0x43: {  	_ =	shalt  }
0x44: {  	_ =	shalt  }
0x45: {  	_ =	shalt  }
0x46: {  	_ =	shalt  }
0x47: {  	_ =	shalt  }
0x48: {  	_ =	shalt  }
0x49: {  	_ =	shalt  }
0x4a: {  	_ =	shalt  }
0x4b: {  	_ =	shalt  }
0x4c: {  	_ =	shalt  }
0x4d: {  	_ =	shalt  }
0x4e: {  	_ =	shalt  }
0x4f: {  	_ =	shalt  }
0x50: {  	_ =	shalt  }
0x51: {  	_ =	shalt  }
0x52: {  	_ =	shalt  }
0x53: {  	_ =	shalt  }
0x54: {  	_ =	shalt  }
0x55: {  	_ =	shalt  }
0x56: {  	_ =	shalt  }
0x57: {  	_ =	shalt  }
0x58: {  	_ =	shalt  }
0x59: {  	_ =	shalt  }
0x5a: {  	_ =	shalt  }
0x5b: {  	_ =	shalt  }
0x5c: {  	_ =	shalt  }
0x5d: {  	_ =	shalt  }
0x5e: {  	_ =	shalt  }
0x5f: {  	_ =	shalt  }
0x60: {  	_ =	shalt  }
0x61: {  	_ =	shalt  }
0x62: {  	_ =	shalt  }
0x63: {  	_ =	shalt  }
0x64: {  	_ =	shalt  }
0x65: {  	_ =	shalt  }
0x66: {  	_ =	shalt  }
0x67: {  	_ =	shalt  }
0x68: {  	_ =	shalt  }
0x69: {  	_ =	shalt  }
0x6a: {  	_ =	shalt  }
0x6b: {  	_ =	shalt  }
0x6c: {  	_ =	shalt  }
0x6d: {  	_ =	shalt  }
0x6e: {  	_ =	shalt  }
0x6f: {  	_ =	shalt  }
0x70: {  	_ =	shalt  }
0x71: {  	_ =	shalt  }
0x72: {  	_ =	shalt  }
0x73: {  	_ =	shalt  }
0x74: {  	_ =	shalt  }
0x75: {  	_ =	shalt  }
0x76: {  	_ =	shalt  }
0x77: {  	_ =	shalt  }
0x78: {  	_ =	shalt  }
0x79: {  	_ =	shalt  }
0x7a: {  	_ =	shalt  }
0x7b: {  	_ =	shalt  }
0x7c: {  	_ =	shalt  }
0x7d: {  	_ =	shalt  }
0x7e: {  	_ =	shalt  }
0x7f: {  	_ =	shalt  }
0x80: {  	_ =	shalt  }
0x81: {  	_ =	shalt  }
0x82: {  	_ =	shalt  }
0x83: {  	_ =	shalt  }
0x84: {  	_ =	shalt  }
0x85: {  	_ =	shalt  }
0x86: {  	_ =	shalt  }
0x87: {  	_ =	shalt  }
.Lfunc_end0:
.L_simem_size_0:
called_computation_lowered:
.L_overlay_start_0:
0x88: {  	s2 =	sld [smem:$0x3FD9]  }
0x89: {  	s3 =	sld [smem:$0x3FFE];
	_ =	sdelay $0x1  }
0x8a: {  	s1 =	srdreg.scid  }
0x8b: {  	s0 =	sand.u32 $0x1, s1  }
0x8c: {  	s17 =	sshll.u32 s0, $0xA;
	s2 =	sadd.s32 s3, s2  }
0x8d: {  	s2 =	sadd.s32 s2, s17  }
0x8e: {  	[smem:$0x3FC4] =	sst s2  }
0x8f: {  	_ = 	snop  }
0x90: {  	s2 =	sld [smem:$0x3FD0];
	(tm) =	ssettm $0x1  }
0x91: {  	s18 =	sld [smem:$0x3FFB];
	_ =	sdelay $0x3  }
0x92: {  	_ =	strace s18  }
0x93: {  	s3 =	sld [smem:$0x3FFC];
	_ =	sdelay $0x3  }
0x94: {  	_ =	strace s3  }
0x95: {  	s3 =	sld [smem:$0x3FFD];
	_ =	sdelay $0x3  }
0x96: {  	_ =	strace s3  }
0x97: {  	_ =	strace $0x8FFFFFFF  }
0x98: {  	s19 =	sld [smem:$0x3FDB];
	_ =	sdelay $0x1  }
0x99: {  	s4 =	simm.s32 $_scs_section_size  }
0x9a: {  	s5 =	simm.s32 $_size__tile_overlayer_lowered;
	s6 =	simm.s32 $_tile_overlayer_lowered  }
0x9b: {  	s22 =	simm.s32 $0x1BFF;
	s21 =	sshll.u32 s6, $0x1;
	s3 =	sadd.s32 s4, s19  }
0x9c: {  	s7 =	simm.s32 $0x0;
	s20 =	sshll.u32 s5, $0x1;
	s5 =	sadd.s32 s21, s3  }
0x9d: {  	[timem:s7], [sflag:s22] =	dma.local [hbm:s5], s20  }
0x9e: {  	_ =	swait.ge [sflag:s22], s20  }
0x9f: {  	s4 =	ssub.s32 $0x0, s20;
	[sflag:s22] =	ssyncset.done $0x0  }
0xa0: {  	[sflag:s22] =	ssyncadd.s32 s4;
	_ =	sdelay $0x1  }
0xa1: {  	s23 =	simm.s32 $0x1B8B  }
0xa2: {  	_ =	swait.ge [sflag:s23], $0x1  }
0xa3: {  	[sflag:s23] =	ssyncset.done $0x0  }
0xa4: {  	s25 =	simm.s32 $0x1B8E;
	s24 =	sld [smem:$0x3FFE];
	[sflag:s23] =	ssyncadd.s32 $0xFFFFFFFF  }
0xa5: {  	s26 =	simm.s32 $execute0_lowered;
	[smem:$0x3FD2] =	sst s25  }
0xa6: {  	s5 =	sshll.u32 s26, $0x1;
	_ =	strace $0x80000046;
	[dreg:$0x1] =	wrdreg $0xFFFFFFFF  }
0xa7: {  	s28 =	simm.s32 $_size_execute0_lowered;
	s3 =	sadd.s32 s3, s5;
	[dreg:$0x0] =	wrdreg $0x0  }
0xa8: {  	s5 =	sshll.u32 s28, $0x1;
	[dreg:$0x2] =	wrdreg s3  }
0xa9: {  	[dreg:$0x3] =	wrdreg s5  }
0xaa: {  	[dreg:$0x4] =	wrdreg $0xC0  }
0xab: {  	_ =	task [dreg:s7], $0x5FFFF  }
0xac: {  	[dreg:$0x1] =	wrdreg $0xFFFFFFFF  }
0xad: {  	[dreg:$0x0] =	wrdreg $0x60  }
0xae: {  	[dreg:$0x2] =	wrdreg s24  }
0xaf: {  	[dreg:$0x3] =	wrdreg s2  }
0xb0: {  	[dreg:$0x4] =	wrdreg $0xA1800  }
0xb1: {  	[dreg:$0x5] =	wrdreg $0x9  }
0xb2: {  	_ =	task.clear_ibuf [dreg:s7], $0x6FFFF;
	_ =	strace $0x90000046  }
0xb3: {  	s29 =	simm.s32 $0x9;
	_ =	strace $0x80000048  }
0xb4: {  	_ =	swait.ge [sflag:s29], $0x1  }
0xb5: {  	[sflag:s29] =	ssyncadd.s32 $0xFFFFFFFF  }
0xb6: {  	_ =	strace $0x90000048  }
0xb7: {  	_ =	sfence  }
0xb8: {  	s30 =	sld [smem:$0x0];
	_ =	sdelay $0x2  }
0xb9: {  	s31 =	sshll.u32 s1, $0xD;
	s1 =	sshrl.u32 s1, $0x2  }
0xba: {  	s3 =	sand.u32 $0x4000, s31;
	s1 =	sadd.s32 s1, s30  }
0xbb: {  	s0 =	sor.u32 s3, s0;
	s1 =	sshll.u32 s1, $0x11  }
0xbc: {  	s0 =	sor.u32 s1, s0  }
0xbd: {  	s0 =	sadd.s32 $0x8F2B, s0  }
0xbe: {  	[sflag:s0] =	ssyncadd.remote.s32 $0x1  }
0xbf: {  	_ =	sfence.sel $0xFFFF  }
0xc0: {  	[dreg:$0x0] =	wrdreg $0xFFFFFFFF;
	(pc) =	sbr.abs _section_cstart, $3  }
0xc1: {  	[dreg:$0x1] =	wrdreg $0xFFFFFFFF  }
0xc2: {  	_ =	task.clear_ibuf [dreg:s7], $0x2FFFF;
	_ =	strace $0x9FFFFFFF  }
0xc3: {  	(tm) =	ssettm $0x7FFFFFFF  }
tec
execute0_lowered:
.L_overlay_start_1:
0x0: {  	(tag) =	ssettag $0x1  }
0x1: {  	s3 =	rddreg [dreg:$0x0]  }
0x2: {  	s6 =	rddreg [dreg:$0x1]  }
0x3: {  	s5 =	rddreg [dreg:$0x2]  }
0x4: {  	s0 =	rddreg [dreg:$0x3]  }
0x5: {  	s2 =	simm.s32 $0x0;
	s1 =	stileid.u32;
	s7 =	srdreg.scid  }
0x6: {  	s12 =	simm.s32 $0x1400;
	s13 =	simm.s32 $0x14000;
	s14 =	simm.s32 $0x7700  }
0x7: {  	s15 =	simm.s32 $0x9F00;
	s16 =	simm.s32 $0x0;
	s4 =	smul.u32 $0x9E0, s1  }
0x8: {  	[smem:$0x7FF] =	sst s2;
	s8 =	sand.u32 $0x1, s7;
	s11 =	smul.u32 $0x5000, s1  }
0x9: {  	s26 =	sshrl.u32 s1, $0x3;
	s10 =	sshll.u32 s1, $0x7;
	s31 =	smul.u32 $0x50, s1  }
0xa: {  	_ =	strace $0x80000047;
	s28 =	ssub.s32 $0x2, s8;
	s7 =	smul.u32 $0x50000, s26  }
0xb: {  	s29 =	sand.u32 $0x380, s10;
	p0 =	sne.s32 s8, $0x0;
	s8 =	simm.s32 $0x1  }
.Ltmp0:
0xc: {  	s10 =	simm.s32 $0x80;
	s3 =	sadd.s32 s4, s3;
	(pc) =	sbr.rel .LBB2_1-.Ltmp0, $4  }
0xd: {  	s9 =	sshrl.u32 s28, $0x1;
	s30 =	sshrl.u32 s11, $0x2;
	s6 =	sadd.s32 s6, s31  }
0xe: {  	s11 =	simm.s32 $0x400;
	s9 =	ssub.s32 s28, s9;
	s7 =	sshrl.u32 s7, $0x2  }
0xf: {  	s3 =	sadd.s32 $0xE00, s3;
	s7 =	sadd.s32 s7, s5;
	s5 =	sadd.s32 s30, s5  }
0x10: {  	v0 =	vimm.f32 $0.0e+00;
	v1 =	vimm.f32 $1.000000000e+00;
	s4 =	sadd.s32 s29, s7;
	s7 =	smax.u32 s9, $0x1;
	s9 =	simm.s32 $0x4F00  }
.LBB2_9:
0x11: {  	[bflag:$0x0] =	sbarrier.arrive $0xFFFF  }
.LBB2_10:
0x12: {  	s16 =	sadd.s32 $0x1, s16  }
0x13: {  	p1 =	sne.s32 s16, s7  }
.Ltmp1:
0x14: {  	_ = 	snop;
	(pc) =	sbr.rel @!p1 .LBB2_11-.Ltmp1, $1  }
0x15: {  	_ =	sdelay $0x3  }
.LBB2_1:
.Ltmp2:
0x16: {  	(pc) =	sbr.rel @p0 .LBB2_9-.Ltmp2, $1  }
0x17: {  	_ =	sdelay $0x3  }
0x18: {  	s17 =	simm.s32 $0x40;
	s18 =	simm.s32 $0x0  }
.LBB2_3:
0x19: {  	p1 =	sne.s32 s17, $0x9FC0;
	[tilespmem:s18+$0x4F00] =	vst v0;
	s18 =	smov.u32 s17;
	s17 =	sadd.s32 $0x40, s17  }
.Ltmp3:
0x1a: {  	(pc) =	sbr.rel @p1 .LBB2_3-.Ltmp3, $2  }
0x1b: {  	_ =	sdelay $0x2  }
0x1c: {  	s18 =	sshra.s32 s18, $0x2  }
0x1d: {  	[tilespmem:s18+$0x4F00] =	vst v0;
	s17 =	simm.s32 $0x0  }
0x1e: {  	[tilespmem:s17], [sflag:$0x1] =	stream.linear.gather [hbm4b:s3+s17], $0x4F00, $0x38;
	[tilespmem:$0xC980] =	vst v63  }
0x1f: {  	_ =	swait.ge [sflag:s8], $0x4F00  }
0x20: {  	[sflag:s8] =	ssyncset.done $0x0  }
0x21: {  	s18 =	simm.s32 $0x0;
	s17 =	simm.s32 $0x40;
	[sflag:s8] =	ssyncadd.s32 $0xFFFFB100  }
.LBB2_5:
0x22: {  	p1 =	sne.s32 s17, $0x13BC0;
	v2 =	vld [tilespmem:s18+$0x0];
	_ =	sdelay $0x3  }
.Ltmp4:
0x23: {  	(pc) =	sbr.rel @p1 .LBB2_5-.Ltmp4, $2  }
0x24: {  	_ =	sdelay $0x2  }
0x25: {  	s18 =	sshra.s32 s17, $0x2;
	s17 =	sadd.s32 $0x40, s17;
	[tilespmem:v2+s9+$0x0] =	vst.idx.add.f32.msk $0xffff, v1  }
0x26: {  	v2 =	vld [tilespmem:s18+$0x0];
	_ =	sdelay $0x7  }
0x27: {  	[tilespmem:v2+s9+$0x0] =	vst.idx.add.f32.msk $0xffff, v1  }
0x28: {  	[spmem:s4] =	stream.strided.scatter [tilespmem:s9], [sflag:$0x1], $0x2800, s11, s10, $0x38;
	[tilespmem:$0xC980] =	vst v63  }
0x29: {  	_ =	swait.ge [sflag:s8], $0x2800  }
0x2a: {  	[sflag:s8] =	ssyncset.done $0x0  }
0x2b: {  	[sflag:s8] =	ssyncadd.s32 $0xFFFFD800  }
0x2c: {  	[bflag:$0x0] =	sbarrier.arrive $0xFFFF  }
0x2d: {  	[tilespmem:s14], [sflag:$0x1] =	stream.strided.gather [spmem:s5], $0x2800, s13, s12, $0x38;
	[tilespmem:$0xC980] =	vst v63  }
0x2e: {  	s17 =	simm.s32 $0x0;
	_ =	swait.ge [sflag:s8], $0x2800  }
0x2f: {  	s30 =	sand.u32 $0x70, s17;
	s17 =	sand.u32 $0x1C00, s17;
	[sflag:s8] =	ssyncset.done $0x0  }
0x30: {  	s17 =	sor.u32 s30, s17;
	[sflag:s8] =	ssyncadd.s32 $0xFFFFD800  }
0x31: {  	v2 =	vld [tilespmem:s17+$0x7780]  }
0x32: {  	v3 =	vld [tilespmem:s17+$0x7700];
	_ =	sdelay $0x1  }
0x33: {  	v4 =	vld [tilespmem:s17+$0x7800];
	_ =	sdelay $0x1  }
0x34: {  	v5 =	vld [tilespmem:s17+$0x7880]  }
0x35: {  	v2 =	vadd.f32 v2, v3  }
0x36: {  	v3 =	vld [tilespmem:s17+$0x7900]  }
0x37: {  	v2 =	vadd.f32 v4, v2  }
0x38: {  	v56 =	vld [tilespmem:s17+$0x7980]  }
0x39: {  	v2 =	vadd.f32 v5, v2  }
0x3a: {  	v57 =	vld [tilespmem:s17+$0x7A00]  }
0x3b: {  	v2 =	vadd.f32 v3, v2  }
0x3c: {  	v3 =	vld [tilespmem:s17+$0x7A80]  }
0x3d: {  	v2 =	vadd.f32 v56, v2  }
0x3e: {  	v58 =	vld [tilespmem:s17+$0x8B00]  }
0x3f: {  	v2 =	vadd.f32 v57, v2  }
0x40: {  	v59 =	vld [tilespmem:s17+$0x8B80]  }
0x41: {  	v2 =	vadd.f32 v3, v2  }
0x42: {  	v3 =	vld [tilespmem:s17+$0x8C00]  }
0x43: {  	v2 =	vadd.f32 v58, v2  }
0x44: {  	v60 =	vld [tilespmem:s17+$0x8C80]  }
0x45: {  	v2 =	vadd.f32 v59, v2  }
0x46: {  	v61 =	vld [tilespmem:s17+$0x8D00]  }
0x47: {  	v2 =	vadd.f32 v3, v2  }
0x48: {  	v3 =	vld [tilespmem:s17+$0x8D80]  }
0x49: {  	v2 =	vadd.f32 v60, v2  }
0x4a: {  	v62 =	vld [tilespmem:s17+$0x8E00]  }
0x4b: {  	v2 =	vadd.f32 v61, v2  }
0x4c: {  	v63 =	vld [tilespmem:s17+$0x8E80]  }
0x4d: {  	v2 =	vadd.f32 v3, v2;
	_ =	sdelay $0x1  }
0x4e: {  	v2 =	vadd.f32 v62, v2;
	_ =	sdelay $0x1  }
0x4f: {  	s31 =	simm.s32 $0x10;
	s19 =	simm.s32 $0x80;
	v2 =	vadd.f32 v63, v2  }
0x50: {  	s18 =	sand.u32 $0x70, s31;
	s20 =	sand.u32 $0x1C00, s19;
	s17 =	simm.s32 $0x9F00  }
0x51: {  	s18 =	sor.u32 s18, s20;
	s20 =	simm.s32 $0x20;
	[tilespmem:s17+$0x0] =	vst v2  }
.LBB2_7:
0x52: {  	p1 =	sne.s32 s20, $0x270;
	v2 =	vld [tilespmem:s18+$0x7780]  }
0x53: {  	v3 =	vld [tilespmem:s18+$0x7700];
	_ =	sdelay $0x1  }
0x54: {  	v4 =	vld [tilespmem:s18+$0x7800];
	_ =	sdelay $0x1  }
0x55: {  	v5 =	vld [tilespmem:s18+$0x7880]  }
0x56: {  	v2 =	vadd.f32 v2, v3  }
0x57: {  	v3 =	vld [tilespmem:s18+$0x7900]  }
0x58: {  	v2 =	vadd.f32 v4, v2  }
0x59: {  	v4 =	vld [tilespmem:s18+$0x7980]  }
0x5a: {  	v2 =	vadd.f32 v5, v2  }
0x5b: {  	v5 =	vld [tilespmem:s18+$0x7A00]  }
0x5c: {  	v2 =	vadd.f32 v3, v2  }
0x5d: {  	v3 =	vld [tilespmem:s18+$0x7A80]  }
0x5e: {  	v2 =	vadd.f32 v4, v2  }
0x5f: {  	v4 =	vld [tilespmem:s18+$0x8B00]  }
0x60: {  	v2 =	vadd.f32 v5, v2  }
0x61: {  	v5 =	vld [tilespmem:s18+$0x8B80]  }
0x62: {  	v2 =	vadd.f32 v3, v2  }
0x63: {  	v3 =	vld [tilespmem:s18+$0x8C00]  }
0x64: {  	v2 =	vadd.f32 v4, v2  }
0x65: {  	v4 =	vld [tilespmem:s18+$0x8C80]  }
0x66: {  	v2 =	vadd.f32 v5, v2  }
0x67: {  	v5 =	vld [tilespmem:s18+$0x8D00]  }
0x68: {  	v2 =	vadd.f32 v3, v2  }
0x69: {  	v3 =	vld [tilespmem:s18+$0x8D80]  }
0x6a: {  	v2 =	vadd.f32 v4, v2  }
0x6b: {  	v4 =	vld [tilespmem:s18+$0x8E00]  }
0x6c: {  	v2 =	vadd.f32 v5, v2  }
0x6d: {  	v5 =	vld [tilespmem:s18+$0x8E80]  }
0x6e: {  	v2 =	vadd.f32 v3, v2;
	_ =	sdelay $0x1  }
.Ltmp5:
0x6f: {  	v2 =	vadd.f32 v4, v2;
	(pc) =	sbr.rel @p1 .LBB2_7-.Ltmp5, $4  }
0x70: {  	_ = 	snop  }
0x71: {  	s19 =	sadd.s32 $0x80, s19;
	v2 =	vadd.f32 v5, v2  }
0x72: {  	s17 =	sadd.s32 $0x10, s17;
	s21 =	sand.u32 $0x1C00, s19;
	s18 =	sand.u32 $0x70, s20  }
0x73: {  	s20 =	sadd.s32 $0x10, s20;
	s18 =	sor.u32 s18, s21;
	[tilespmem:s17+$0x0] =	vst v2  }
0x74: {  	v2 =	vld [tilespmem:s18+$0x7780]  }
0x75: {  	v3 =	vld [tilespmem:s18+$0x7700];
	_ =	sdelay $0x1  }
0x76: {  	v4 =	vld [tilespmem:s18+$0x7800];
	_ =	sdelay $0x1  }
0x77: {  	v5 =	vld [tilespmem:s18+$0x7880]  }
0x78: {  	v2 =	vadd.f32 v2, v3  }
0x79: {  	v3 =	vld [tilespmem:s18+$0x7900]  }
0x7a: {  	v2 =	vadd.f32 v4, v2  }
0x7b: {  	v56 =	vld [tilespmem:s18+$0x7980]  }
0x7c: {  	v2 =	vadd.f32 v5, v2  }
0x7d: {  	v57 =	vld [tilespmem:s18+$0x7A00]  }
0x7e: {  	v2 =	vadd.f32 v3, v2  }
0x7f: {  	v3 =	vld [tilespmem:s18+$0x7A80]  }
0x80: {  	v2 =	vadd.f32 v56, v2  }
0x81: {  	v58 =	vld [tilespmem:s18+$0x8B00]  }
0x82: {  	v2 =	vadd.f32 v57, v2  }
0x83: {  	v59 =	vld [tilespmem:s18+$0x8B80]  }
0x84: {  	v2 =	vadd.f32 v3, v2  }
0x85: {  	v3 =	vld [tilespmem:s18+$0x8C00]  }
0x86: {  	v2 =	vadd.f32 v58, v2  }
0x87: {  	v60 =	vld [tilespmem:s18+$0x8C80]  }
0x88: {  	v2 =	vadd.f32 v59, v2  }
0x89: {  	v61 =	vld [tilespmem:s18+$0x8D00]  }
0x8a: {  	v2 =	vadd.f32 v3, v2  }
0x8b: {  	v3 =	vld [tilespmem:s18+$0x8D80]  }
0x8c: {  	v2 =	vadd.f32 v60, v2  }
0x8d: {  	v62 =	vld [tilespmem:s18+$0x8E00]  }
0x8e: {  	v2 =	vadd.f32 v61, v2  }
0x8f: {  	v63 =	vld [tilespmem:s18+$0x8E80]  }
0x90: {  	v2 =	vadd.f32 v3, v2;
	_ =	sdelay $0x1  }
0x91: {  	v2 =	vadd.f32 v62, v2;
	_ =	sdelay $0x1  }
0x92: {  	v2 =	vadd.f32 v63, v2  }
0x93: {  	s17 =	sadd.s32 $0x10, s17  }
.Ltmp6:
0x94: {  	[tilespmem:s17+$0x0] =	vst v2;
	(pc) =	sbr.rel .LBB2_10-.Ltmp6, $4  }
0x95: {  	[hbm4b:s6+s2] =	stream.linear.scatter [tilespmem:s15], [sflag:$0x1], $0x280, $0x38;
	[tilespmem:$0xC980] =	vst v63  }
0x96: {  	_ =	swait.ge [sflag:s8], $0x280  }
0x97: {  	[sflag:s8] =	ssyncset.done $0x0  }
0x98: {  	[sflag:s8] =	ssyncadd.s32 $0xFFFFFD80  }
.LBB2_11:
0x99: {  	_ =	sfence.sel $0x180000  }
0x9a: {  	[bflag:$0x0] =	sbarrier.arrive $0xFFFF  }
0x9b: {  	p0 =	sne.s32 s1, $0x0;
	_ =	strace $0x90000047  }
0x9c: {  	s0 =	sadd.s32 @!p0 $0x100000, s0;
	[bflag:$0x2] =	sbarrier.arrive $0xFFFF  }
0x9d: {  	[sflag:s0] =	ssyncadd.tile.s32 @!p0 $0x1;
	_ =	shalt  }
.Lfunc_end2:
_tile_overlayer_lowered:
.L_overlay_start_2:
0x9e: {  	(tag) =	ssettag $0x2  }
0x9f: {  	s0 =	rddreg [dreg:$0x0];
	s2 =	stileid.u32  }
0xa0: {  	s1 =	rddreg [dreg:$0x1];
	p0 =	sne.s32 s2, $0x0  }
0xa1: {  	s3 =	rddreg [dreg:$0x2];
	[bflag:$0x3] =	sbarrier.arrive $0xFFFF;
	s2 =	simm.s32 @!p0 $0x1C01  }
0xa2: {  	[timem:s3], [sflag:s2] =	dma.local @!p0 [hbm:s0], s1  }
0xa3: {  	s0 =	simm.s32 @!p0 $0x1  }
0xa4: {  	_ =	swait.ge @!p0 [sflag:s0], s1  }
0xa5: {  	s1 =	ssub.s32 @!p0 $0x0, s1;
	[sflag:s0] =	ssyncset.done @!p0 $0x0  }
0xa6: {  	[sflag:s0] =	ssyncadd.s32 @!p0 s1  }
0xa7: {  	[bflag:$0x3] =	sbarrier.arrive $0xFFFF  }
0xa8: {  	_ =	shalt  }

// kernel: kernel.9.cloned.1.call-start
scs
__scs_entry_jumppad:
0x0: {  	(pc) =	sbr.rel $0x88, $3  }
0x1: {  	(tag) =	ssettag $0x0;
	lr =	simm.s32 $0x1  }
0x2: {  	[smem:$0x3F9D] =	sst lr;
	_ =	strace $0xD0000000  }
0x3: {  	_ = 	snop  }
0x4: {  	_ = 	snop  }
0x5: {  	_ = 	snop  }
0x6: {  	_ = 	snop  }
0x7: {  	_ = 	snop  }
__scs_overlays_trampoline_lowered:
0x8: {  	[smem:$0x3FAC] =	sst s0  }
0x9: {  	[smem:$0x3FAD] =	sst s1  }
0xa: {  	[smem:$0x3FAE] =	sst s2  }
0xb: {  	[smem:$0x3FAF] =	sst s3  }
0xc: {  	[smem:$0x3FB0] =	sst s4  }
0xd: {  	[smem:$0x3FB1] =	sst s5  }
0xe: {  	[smem:$0x3FB2] =	sst s6  }
0xf: {  	[smem:$0x3FB3] =	sst s7  }
0x10: {  	[smem:$0x3FB4] =	sst s8  }
0x11: {  	[smem:$0x3FB5] =	sst s9;
	s0 =	simm.s32 @!p0 $0x0  }
0x12: {  	s1 =	sld [smem:$0x3F9B];
	s0 =	simm.s32 @p0 $0x1  }
0x13: {  	[smem:$0x3FB6] =	sst s0;
	s0 =	simm.s32 @!p1 $0x0  }
0x14: {  	s2 =	sld [smem:$0x3F9A];
	s0 =	simm.s32 @p1 $0x1  }
0x15: {  	[smem:$0x3FB7] =	sst s0;
	s0 =	simm.s32 @!p2 $0x0  }
0x16: {  	s3 =	sld [smem:$0x3FDB];
	s0 =	simm.s32 @p2 $0x1  }
0x17: {  	s4 =	simm.s32 $0x1BF5;
	[smem:$0x3FB9] =	sst s0  }
0x18: {  	s0 =	sld [smem:$0x3F9C];
	_ =	swait.ge [sflag:s4], $0x0  }
0x19: {  	s7 =	sld [smem:$0x3F9D]  }
0x1a: {  	s8 =	sadd.s32 $0xFFFFE003, lr  }
0x1b: {  	s9 =	sadd.s32 $0xFFFFFEF7, lr;
	s5 =	simm.s32 $0xFFFFFFFF;
	p2 =	slt.u32 s8, $0xFFFFF086  }
0x1c: {  	p1 =	slt.u32 s9, $0xF7A;
	s5 =	simm.s32 @!p2 $0x0  }
0x1d: {  	s5 =	simm.s32 @p1 $0x1;
	p0 =	seq.s32 s7, s2  }
0x1e: {  	s7 =	smul.u32 @!p0 $0xF7A, s2;
	p2 =	seq.s32 @!p0 s5, $0x0  }
0x1f: {  	s9 =	smul.u32 $0xF7A, s1;
	s8 =	simm.s32 @!p0 $0x1BF5;
	p2 =	por !p2, p0  }
0x20: {  	[sflag:s8] =	ssyncset.s32 @!p0 $0xFFFFF086;
	s6 =	sadd.s32 @!p0 s3, s7;
	s7 =	simm.s32 @!p0 $0x108  }
0x21: {  	s3 =	sadd.s32 s3, s9;
	s6 =	sadd.s32 @!p0 $0x88, s6;
	s7 =	simm.s32 @p2 $0x1082  }
0x22: {  	[simem:s7], [sflag:s8] =	dma.local @!p0 [hbm:s6], $0xF7A  }
0x23: {  	s9 =	sor.u32 $0xD0000000, s2;
	s6 =	simm.s32 $0x108;
	_ =	swait.ge @!p0 [sflag:s8], $0x0  }
0x24: {  	s3 =	sadd.s32 $0x88, s3;
	s6 =	simm.s32 @!p1 $0x1082;
	[sflag:s4] =	ssyncset.s32 $0xFFFFF086  }
0x25: {  	[simem:s6], [sflag:s4] =	dma.local [hbm:s3], $0xF7A  }
0x26: {  	[smem:$0x3F9D] =	sst s1;
	(tag) =	ssettag s2;
	_ =	strace s9  }
0x27: {  	s1 =	sld [smem:$0x3FAD]  }
0x28: {  	s2 =	sld [smem:$0x3FAE]  }
0x29: {  	s4 =	sld [smem:$0x3FB0]  }
0x2a: {  	p0 =	seq.s32 s5, $0x0;
	s5 =	sld [smem:$0x3FB1]  }
0x2b: {  	s6 =	sld [smem:$0x3FB2]  }
0x2c: {  	s7 =	sld [smem:$0x3FB3]  }
0x2d: {  	s3 =	simm.s32 $0x108;
	s8 =	sld [smem:$0x3FB4]  }
0x2e: {  	s3 =	simm.s32 @!p0 $0x1082;
	s9 =	sld [smem:$0x3FB5]  }
0x2f: {  	lr =	sadd.s32 s0, s3;
	s0 =	sld [smem:$0x3FAC]  }
0x30: {  	s3 =	sld [smem:$0x3FAF]  }
0x31: {  	[smem:$0x3FB8] =	sst s10  }
0x32: {  	s10 =	sld [smem:$0x3FB6];
	_ =	sdelay $0x3  }
0x33: {  	p0 =	seq.s32 s10, $0x1;
	s10 =	sld [smem:$0x3FB8];
	_ =	sdelay $0x3  }
0x34: {  	[smem:$0x3FB8] =	sst s10  }
0x35: {  	s10 =	sld [smem:$0x3FB7];
	_ =	sdelay $0x3  }
0x36: {  	p1 =	seq.s32 s10, $0x1;
	s10 =	sld [smem:$0x3FB8];
	_ =	sdelay $0x3  }
0x37: {  	[smem:$0x3FB8] =	sst s10  }
0x38: {  	s10 =	sld [smem:$0x3FB9]  }
0x39: {  	_ = 	snop;
	(pc) =	sbr.ind lr, $3  }
0x3a: {  	_ = 	snop  }
0x3b: {  	_ = 	snop  }
0x3c: {  	p2 =	seq.s32 s10, $0x1;
	s10 =	sld [smem:$0x3FB8]  }
0x3d: {  	_ =	shalt  }
0x3e: {  	_ =	shalt  }
0x3f: {  	_ =	shalt  }
0x40: {  	_ =	shalt  }
0x41: {  	_ =	shalt  }
0x42: {  	_ =	shalt  }
0x43: {  	_ =	shalt  }
0x44: {  	_ =	shalt  }
0x45: {  	_ =	shalt  }
0x46: {  	_ =	shalt  }
0x47: {  	_ =	shalt  }
0x48: {  	_ =	shalt  }
0x49: {  	_ =	shalt  }
0x4a: {  	_ =	shalt  }
0x4b: {  	_ =	shalt  }
0x4c: {  	_ =	shalt  }
0x4d: {  	_ =	shalt  }
0x4e: {  	_ =	shalt  }
0x4f: {  	_ =	shalt  }
0x50: {  	_ =	shalt  }
0x51: {  	_ =	shalt  }
0x52: {  	_ =	shalt  }
0x53: {  	_ =	shalt  }
0x54: {  	_ =	shalt  }
0x55: {  	_ =	shalt  }
0x56: {  	_ =	shalt  }
0x57: {  	_ =	shalt  }
0x58: {  	_ =	shalt  }
0x59: {  	_ =	shalt  }
0x5a: {  	_ =	shalt  }
0x5b: {  	_ =	shalt  }
0x5c: {  	_ =	shalt  }
0x5d: {  	_ =	shalt  }
0x5e: {  	_ =	shalt  }
0x5f: {  	_ =	shalt  }
0x60: {  	_ =	shalt  }
0x61: {  	_ =	shalt  }
0x62: {  	_ =	shalt  }
0x63: {  	_ =	shalt  }
0x64: {  	_ =	shalt  }
0x65: {  	_ =	shalt  }
0x66: {  	_ =	shalt  }
0x67: {  	_ =	shalt  }
0x68: {  	_ =	shalt  }
0x69: {  	_ =	shalt  }
0x6a: {  	_ =	shalt  }
0x6b: {  	_ =	shalt  }
0x6c: {  	_ =	shalt  }
0x6d: {  	_ =	shalt  }
0x6e: {  	_ =	shalt  }
0x6f: {  	_ =	shalt  }
0x70: {  	_ =	shalt  }
0x71: {  	_ =	shalt  }
0x72: {  	_ =	shalt  }
0x73: {  	_ =	shalt  }
0x74: {  	_ =	shalt  }
0x75: {  	_ =	shalt  }
0x76: {  	_ =	shalt  }
0x77: {  	_ =	shalt  }
0x78: {  	_ =	shalt  }
0x79: {  	_ =	shalt  }
0x7a: {  	_ =	shalt  }
0x7b: {  	_ =	shalt  }
0x7c: {  	_ =	shalt  }
0x7d: {  	_ =	shalt  }
0x7e: {  	_ =	shalt  }
0x7f: {  	_ =	shalt  }
0x80: {  	_ =	shalt  }
0x81: {  	_ =	shalt  }
0x82: {  	_ =	shalt  }
0x83: {  	_ =	shalt  }
0x84: {  	_ =	shalt  }
0x85: {  	_ =	shalt  }
0x86: {  	_ =	shalt  }
0x87: {  	_ =	shalt  }
.Lfunc_end0:
.L_simem_size_0:
called_computation.1_lowered:
.L_overlay_start_0:
0x88: {  	s2 =	sld [smem:$0x3FD9]  }
0x89: {  	s3 =	sld [smem:$0x3FFE];
	_ =	sdelay $0x1  }
0x8a: {  	s1 =	srdreg.scid  }
0x8b: {  	s0 =	sand.u32 $0x1, s1  }
0x8c: {  	s17 =	sshll.u32 s0, $0xA;
	s2 =	sadd.s32 s3, s2  }
0x8d: {  	s2 =	sadd.s32 s2, s17  }
0x8e: {  	[smem:$0x3FC4] =	sst s2  }
0x8f: {  	_ = 	snop  }
0x90: {  	s2 =	sld [smem:$0x3FD0];
	(tm) =	ssettm $0x1  }
0x91: {  	s18 =	sld [smem:$0x3FFB];
	_ =	sdelay $0x3  }
0x92: {  	_ =	strace s18  }
0x93: {  	s3 =	sld [smem:$0x3FFC];
	_ =	sdelay $0x3  }
0x94: {  	_ =	strace s3  }
0x95: {  	s3 =	sld [smem:$0x3FFD];
	_ =	sdelay $0x3  }
0x96: {  	_ =	strace s3  }
0x97: {  	_ =	strace $0x8FFFFFFF  }
0x98: {  	s19 =	sld [smem:$0x3FDB];
	_ =	sdelay $0x1  }
0x99: {  	s4 =	simm.s32 $_scs_section_size  }
0x9a: {  	s5 =	simm.s32 $_size__tile_overlayer_lowered;
	s6 =	simm.s32 $_tile_overlayer_lowered  }
0x9b: {  	s22 =	simm.s32 $0x1BFF;
	s21 =	sshll.u32 s6, $0x1;
	s3 =	sadd.s32 s4, s19  }
0x9c: {  	s7 =	simm.s32 $0x0;
	s20 =	sshll.u32 s5, $0x1;
	s5 =	sadd.s32 s21, s3  }
0x9d: {  	[timem:s7], [sflag:s22] =	dma.local [hbm:s5], s20  }
0x9e: {  	_ =	swait.ge [sflag:s22], s20  }
0x9f: {  	s4 =	ssub.s32 $0x0, s20;
	[sflag:s22] =	ssyncset.done $0x0  }
0xa0: {  	[sflag:s22] =	ssyncadd.s32 s4;
	_ =	sdelay $0x1  }
0xa1: {  	s23 =	simm.s32 $0x1B8B  }
0xa2: {  	_ =	swait.ge [sflag:s23], $0x1  }
0xa3: {  	[sflag:s23] =	ssyncset.done $0x0  }
0xa4: {  	s25 =	simm.s32 $0x1B8E;
	s24 =	sld [smem:$0x3FFE];
	[sflag:s23] =	ssyncadd.s32 $0xFFFFFFFF  }
0xa5: {  	s26 =	simm.s32 $execute0_lowered;
	[smem:$0x3FD2] =	sst s25  }
0xa6: {  	s5 =	sshll.u32 s26, $0x1;
	_ =	strace $0x80000049;
	[dreg:$0x1] =	wrdreg $0xFFFFFFFF  }
0xa7: {  	s28 =	simm.s32 $_size_execute0_lowered;
	s3 =	sadd.s32 s3, s5;
	[dreg:$0x0] =	wrdreg $0x0  }
0xa8: {  	s5 =	sshll.u32 s28, $0x1;
	[dreg:$0x2] =	wrdreg s3  }
0xa9: {  	[dreg:$0x3] =	wrdreg s5  }
0xaa: {  	[dreg:$0x4] =	wrdreg $0xC0  }
0xab: {  	_ =	task [dreg:s7], $0x5FFFF  }
0xac: {  	[dreg:$0x1] =	wrdreg $0xFFFFFFFF  }
0xad: {  	[dreg:$0x0] =	wrdreg $0x60  }
0xae: {  	[dreg:$0x2] =	wrdreg s24  }
0xaf: {  	[dreg:$0x3] =	wrdreg s2  }
0xb0: {  	[dreg:$0x4] =	wrdreg $0x82000  }
0xb1: {  	[dreg:$0x5] =	wrdreg $0x9  }
0xb2: {  	_ =	task.clear_ibuf [dreg:s7], $0x6FFFF;
	_ =	strace $0x90000049  }
0xb3: {  	s29 =	simm.s32 $0x9;
	_ =	strace $0x8000004B  }
0xb4: {  	_ =	swait.ge [sflag:s29], $0x1  }
0xb5: {  	[sflag:s29] =	ssyncadd.s32 $0xFFFFFFFF  }
0xb6: {  	_ =	strace $0x9000004B  }
0xb7: {  	_ =	sfence  }
0xb8: {  	s30 =	sld [smem:$0x0];
	_ =	sdelay $0x2  }
0xb9: {  	s31 =	sshll.u32 s1, $0xD;
	s1 =	sshrl.u32 s1, $0x2  }
0xba: {  	s3 =	sand.u32 $0x4000, s31;
	s1 =	sadd.s32 s1, s30  }
0xbb: {  	s0 =	sor.u32 s3, s0;
	s1 =	sshll.u32 s1, $0x11  }
0xbc: {  	s0 =	sor.u32 s1, s0  }
0xbd: {  	s0 =	sadd.s32 $0x8F2B, s0  }
0xbe: {  	[sflag:s0] =	ssyncadd.remote.s32 $0x1  }
0xbf: {  	_ =	sfence.sel $0xFFFF  }
0xc0: {  	[dreg:$0x0] =	wrdreg $0xFFFFFFFF;
	(pc) =	sbr.abs _section_cstart, $3  }
0xc1: {  	[dreg:$0x1] =	wrdreg $0xFFFFFFFF  }
0xc2: {  	_ =	task.clear_ibuf [dreg:s7], $0x2FFFF;
	_ =	strace $0x9FFFFFFF  }
0xc3: {  	(tm) =	ssettm $0x7FFFFFFF  }
tec
execute0_lowered:
.L_overlay_start_1:
0x0: {  	(tag) =	ssettag $0x1  }
0x1: {  	s0 =	rddreg [dreg:$0x0]  }
0x2: {  	s1 =	rddreg [dreg:$0x1];
	s3 =	srdreg.scid  }
0x3: {  	s14 =	stileid.u32;
	s2 =	rddreg [dreg:$0x2]  }
0x4: {  	s28 =	simm.s32 $0x1;
	s29 =	simm.s32 $0x3;
	s30 =	simm.s32 $0x2  }
0x5: {  	s31 =	simm.s32 $0x4;
	s7 =	sand.u32 $0x1, s3;
	s8 =	smul.u32 $0x14000, s14  }
0x6: {  	s3 =	simm.s32 $0x0;
	s4 =	sadd.s32 $0xAC00, s0;
	s11 =	smul.u32 $0x50000, s14  }
0x7: {  	s12 =	sshll.u32 s14, $0x1;
	s18 =	sshll.u32 s14, $0x6;
	s14 =	smul.u32 $0x4F00, s14  }
0x8: {  	s6 =	sadd.s32 $0x14A00, s0;
	s5 =	smul.u32 $0x140000, s7;
	[smem:$0x7FF] =	sst s3  }
0x9: {  	s10 =	ssub.s32 $0x2, s7;
	s12 =	sor.u32 s7, s12;
	s7 =	smul.u32 $0x2780, s7  }
0xa: {  	_ =	strace $0x8000004A;
	s17 =	sshrl.u32 s10, $0x1;
	s11 =	sshrl.u32 s11, $0x2  }
0xb: {  	s12 =	smul.u32 $0x2780, s12;
	s9 =	sadd.s32 s8, s5;
	s5 =	sadd.s32 $0xE00, s0  }
0xc: {  	s8 =	sshrl.u32 s8, $0x3;
	s16 =	ssub.s32 s10, s17;
	s20 =	sadd.s32 s11, s2  }
0xd: {  	s7 =	sadd.s32 s7, s14;
	s9 =	sshrl.u32 s9, $0x3;
	s1 =	sadd.s32 s1, s8  }
0xe: {  	s13 =	sshrl.u32 s12, $0x3;
	s8 =	sor.u32 $0x1C05, s18;
	s25 =	sadd.s32 $0x180, s7  }
0xf: {  	s16 =	smax.u32 s16, $0x1;
	s20 =	sshrl.u32 s20, $0x3;
	s0 =	sadd.s32 s9, s0  }
0x10: {  	[dreg:$0x4] =	wrdreg s1;
	s19 =	sadd.s32 $0x10, s13;
	s21 =	sadd.s32 s4, s13  }
0x11: {  	s22 =	sadd.s32 s5, s13;
	s24 =	sadd.s32 $0x4E0, s13;
	s26 =	sshrl.u32 s25, $0x3  }
0x12: {  	s25 =	simm.s32 $0x180;
	s1 =	simm.s32 $0x0;
	[dreg:$0x5] =	wrdreg s21  }
0x13: {  	[dreg:$0x6] =	wrdreg s22;
	s23 =	sadd.s32 s4, s19;
	s12 =	sadd.s32 s5, s19  }
0x14: {  	s13 =	sadd.s32 s4, s24;
	s14 =	sadd.s32 s5, s24;
	s15 =	sadd.s32 $0x3BC00, s0  }
0x15: {  	s17 =	sadd.s32 s26, s5;
	s18 =	sadd.s32 s26, s4;
	s19 =	sadd.s32 $0x100, s7  }
0x16: {  	s21 =	simm.s32 $0x5;
	s22 =	simm.s32 $0x100;
	s24 =	simm.s32 $0x200  }
0x17: {  	s26 =	simm.s32 $0x4200;
	[dreg:$0x7] =	wrdreg s23;
	s23 =	simm.s32 $0x80  }
.LBB2_1:
0x18: {  	s0 =	rddreg [dreg:$0x4]  }
0x19: {  	[spmem:s20], [sflag:s8] =	dma.local [hbm:s0], $0x2800  }
0x1a: {  	_ =	swait.ge [sflag:s21], $0x2800  }
0x1b: {  	[sflag:s21] =	ssyncset.done $0x0  }
0x1c: {  	[sflag:s21] =	ssyncadd.s32 $0xFFFFD800  }
0x1d: {  	[bflag:$0x0] =	sbarrier.arrive $0xFFFF  }
0x1e: {  	s10 =	rddreg [dreg:$0x5]  }
0x1f: {  	[tilespmem:s3], [sflag:$0x5] =	stream.linear.gather [hbm4b:s10+s3], $0x80, $0x38;
	[tilespmem:$0x1C200] =	vst v63  }
0x20: {  	_ =	swait.ge [sflag:s21], $0x80  }
0x21: {  	[sflag:s21] =	ssyncset.done $0x0  }
0x22: {  	s11 =	rddreg [dreg:$0x6];
	[sflag:s21] =	ssyncadd.s32 $0xFFFFFF80  }
0x23: {  	[tilespmem:s22], [sflag:$0x5] =	stream.linear.gather [hbm4b:s11+s3], $0x80, $0x38;
	[tilespmem:$0x1C200] =	vst v63  }
0x24: {  	_ =	swait.ge [sflag:s21], $0x80  }
0x25: {  	[sflag:s21] =	ssyncset.done $0x0  }
0x26: {  	[sflag:s21] =	ssyncadd.s32 $0xFFFFFF80  }
0x27: {  	[tilespmem:s24], [sflag:$0x1] =	stream.indirect.gather [hbm4b:s6+s23], $0x80, s3, s23, $0xb8;
	[tilespmem:$0x1C200] =	vst v63  }
0x28: {  	s7 =	rddreg [dreg:$0x7]  }
0x29: {  	[tilespmem:s23], [sflag:$0x5] =	stream.linear.gather [hbm4b:s7+s3], $0x80, $0x38;
	[tilespmem:$0x1C200] =	vst v63  }
0x2a: {  	_ =	swait.ge [sflag:s21], $0x80  }
0x2b: {  	[sflag:s21] =	ssyncset.done $0x0  }
0x2c: {  	[sflag:s21] =	ssyncadd.s32 $0xFFFFFF80  }
0x2d: {  	[tilespmem:s25], [sflag:$0x5] =	stream.linear.gather [hbm4b:s12+s3], $0x80, $0x38;
	[tilespmem:$0x1C200] =	vst v63  }
0x2e: {  	_ =	swait.ge [sflag:s21], $0x80  }
0x2f: {  	[sflag:s21] =	ssyncset.done $0x0  }
0x30: {  	[sflag:s21] =	ssyncadd.s32 $0xFFFFFF80  }
0x31: {  	[tilespmem:s26], [sflag:$0x2] =	stream.indirect.gather [hbm4b:s6+s23], $0x80, s23, s23, $0xb8;
	[tilespmem:$0x1C200] =	vst v63  }
0x32: {  	_ =	swait.ge [sflag:s28], $0x4000  }
0x33: {  	[sflag:s28] =	ssyncset.done $0x0  }
0x34: {  	[sflag:s28] =	ssyncadd.s32 $0xFFFFC000  }
0x35: {  	[spmem:s2] =	stream.indirect.scatter.add.f32 [tilespmem:s24], [sflag:$0x3], $0x80, s22, s23, $0xb8;
	[tilespmem:$0x1C200] =	vst v63  }
0x36: {  	_ =	swait.ge [sflag:s29], $0x4000  }
0x37: {  	s9 =	sshrl.u32 s19, $0x3;
	[sflag:s29] =	ssyncset.done $0x0  }
0x38: {  	s7 =	sadd.s32 s4, s9;
	[sflag:s29] =	ssyncadd.s32 $0xFFFFC000  }
0x39: {  	[tilespmem:s3], [sflag:$0x5] =	stream.linear.gather [hbm4b:s7+s3], $0x80, $0x38;
	[tilespmem:$0x1C200] =	vst v63  }
0x3a: {  	_ =	swait.ge [sflag:s21], $0x80  }
0x3b: {  	[sflag:s21] =	ssyncset.done $0x0  }
0x3c: {  	s0 =	sadd.s32 s5, s9;
	[sflag:s21] =	ssyncadd.s32 $0xFFFFFF80  }
0x3d: {  	[tilespmem:s22], [sflag:$0x5] =	stream.linear.gather [hbm4b:s0+s3], $0x80, $0x38;
	[tilespmem:$0x1C200] =	vst v63  }
0x3e: {  	_ =	swait.ge [sflag:s21], $0x80  }
0x3f: {  	[sflag:s21] =	ssyncset.done $0x0  }
0x40: {  	[sflag:s21] =	ssyncadd.s32 $0xFFFFFF80  }
0x41: {  	[tilespmem:s24], [sflag:$0x1] =	stream.indirect.gather [hbm4b:s6+s23], $0x80, s3, s23, $0xb8;
	[tilespmem:$0x1C200] =	vst v63  }
0x42: {  	_ =	swait.ge [sflag:s30], $0x4000  }
0x43: {  	[sflag:s30] =	ssyncset.done $0x0  }
0x44: {  	[sflag:s30] =	ssyncadd.s32 $0xFFFFC000  }
0x45: {  	[spmem:s2] =	stream.indirect.scatter.add.f32 [tilespmem:s26], [sflag:$0x4], $0x80, s25, s23, $0xb8;
	[tilespmem:$0x1C200] =	vst v63  }
0x46: {  	_ =	swait.ge [sflag:s31], $0x4000  }
0x47: {  	[sflag:s31] =	ssyncset.done $0x0  }
0x48: {  	s10 =	sadd.s32 $0x0, s18;
	[sflag:s31] =	ssyncadd.s32 $0xFFFFC000  }
0x49: {  	[tilespmem:s23], [sflag:$0x5] =	stream.linear.gather [hbm4b:s10+s3], $0x80, $0x38;
	[tilespmem:$0x1C200] =	vst v63  }
0x4a: {  	_ =	swait.ge [sflag:s21], $0x80  }
0x4b: {  	[sflag:s21] =	ssyncset.done $0x0  }
0x4c: {  	s11 =	sadd.s32 $0x0, s17;
	[sflag:s21] =	ssyncadd.s32 $0xFFFFFF80  }
0x4d: {  	[tilespmem:s25], [sflag:$0x5] =	stream.linear.gather [hbm4b:s11+s3], $0x80, $0x38;
	[tilespmem:$0x1C200] =	vst v63  }
0x4e: {  	_ =	swait.ge [sflag:s21], $0x80  }
0x4f: {  	[sflag:s21] =	ssyncset.done $0x0  }
0x50: {  	s7 =	sadd.s32 $0x100, s19;
	s0 =	simm.s32 $0x20;
	[sflag:s21] =	ssyncadd.s32 $0xFFFFFF80  }
.LBB2_2:
0x51: {  	[tilespmem:s26], [sflag:$0x2] =	stream.indirect.gather [hbm4b:s6+s23], $0x80, s23, s23, $0xb8;
	[tilespmem:$0x1C200] =	vst v63  }
0x52: {  	s9 =	smov.u32 s0  }
0x53: {  	p0 =	sne.s32 s0, $0x4A0;
	s0 =	sadd.s32 $0x20, s0;
	_ =	swait.ge [sflag:s28], $0x4000  }
0x54: {  	[sflag:s28] =	ssyncset.done $0x0  }
0x55: {  	[sflag:s28] =	ssyncadd.s32 $0xFFFFC000  }
0x56: {  	[spmem:s2] =	stream.indirect.scatter.add.f32 [tilespmem:s24], [sflag:$0x3], $0x80, s22, s23, $0xb8;
	[tilespmem:$0x1C200] =	vst v63  }
0x57: {  	_ =	swait.ge [sflag:s29], $0x4000  }
0x58: {  	s10 =	sshrl.u32 s7, $0x3;
	[sflag:s29] =	ssyncset.done $0x0  }
0x59: {  	s11 =	sadd.s32 s4, s10;
	[sflag:s29] =	ssyncadd.s32 $0xFFFFC000  }
0x5a: {  	[tilespmem:s3], [sflag:$0x5] =	stream.linear.gather [hbm4b:s11+s3], $0x80, $0x38;
	[tilespmem:$0x1C200] =	vst v63  }
0x5b: {  	_ =	swait.ge [sflag:s21], $0x80  }
0x5c: {  	[sflag:s21] =	ssyncset.done $0x0  }
0x5d: {  	s10 =	sadd.s32 s5, s10;
	[sflag:s21] =	ssyncadd.s32 $0xFFFFFF80  }
0x5e: {  	[tilespmem:s22], [sflag:$0x5] =	stream.linear.gather [hbm4b:s10+s3], $0x80, $0x38;
	[tilespmem:$0x1C200] =	vst v63  }
0x5f: {  	_ =	swait.ge [sflag:s21], $0x80  }
0x60: {  	[sflag:s21] =	ssyncset.done $0x0  }
0x61: {  	[sflag:s21] =	ssyncadd.s32 $0xFFFFFF80  }
0x62: {  	[tilespmem:s24], [sflag:$0x1] =	stream.indirect.gather [hbm4b:s6+s23], $0x80, s3, s23, $0xb8;
	[tilespmem:$0x1C200] =	vst v63  }
0x63: {  	_ =	swait.ge [sflag:s30], $0x4000  }
0x64: {  	[sflag:s30] =	ssyncset.done $0x0  }
0x65: {  	[sflag:s30] =	ssyncadd.s32 $0xFFFFC000  }
0x66: {  	[spmem:s2] =	stream.indirect.scatter.add.f32 [tilespmem:s26], [sflag:$0x4], $0x80, s25, s23, $0xb8;
	[tilespmem:$0x1C200] =	vst v63  }
0x67: {  	_ =	swait.ge [sflag:s31], $0x4000  }
0x68: {  	[sflag:s31] =	ssyncset.done $0x0  }
0x69: {  	s10 =	sadd.s32 s9, s18;
	[sflag:s31] =	ssyncadd.s32 $0xFFFFC000  }
0x6a: {  	[tilespmem:s23], [sflag:$0x5] =	stream.linear.gather [hbm4b:s10+s3], $0x80, $0x38;
	[tilespmem:$0x1C200] =	vst v63  }
0x6b: {  	_ =	swait.ge [sflag:s21], $0x80  }
0x6c: {  	[sflag:s21] =	ssyncset.done $0x0  }
.Ltmp0:
0x6d: {  	s9 =	sadd.s32 s9, s17;
	[sflag:s21] =	ssyncadd.s32 $0xFFFFFF80;
	(pc) =	sbr.rel @p0 .LBB2_2-.Ltmp0, $4  }
0x6e: {  	[tilespmem:s25], [sflag:$0x5] =	stream.linear.gather [hbm4b:s9+s3], $0x80, $0x38;
	[tilespmem:$0x1C200] =	vst v63  }
0x6f: {  	_ =	swait.ge [sflag:s21], $0x80  }
0x70: {  	[sflag:s21] =	ssyncset.done $0x0  }
0x71: {  	s7 =	sadd.s32 $0x100, s7;
	[sflag:s21] =	ssyncadd.s32 $0xFFFFFF80  }
0x72: {  	[tilespmem:s26], [sflag:$0x2] =	stream.indirect.gather [hbm4b:s6+s23], $0x80, s23, s23, $0xb8;
	[tilespmem:$0x1C200] =	vst v63  }
0x73: {  	_ =	swait.ge [sflag:s28], $0x4000  }
0x74: {  	[sflag:s28] =	ssyncset.done $0x0  }
0x75: {  	[sflag:s28] =	ssyncadd.s32 $0xFFFFC000  }
0x76: {  	[spmem:s2] =	stream.indirect.scatter.add.f32 [tilespmem:s24], [sflag:$0x3], $0x80, s22, s23, $0xb8;
	[tilespmem:$0x1C200] =	vst v63  }
0x77: {  	_ =	swait.ge [sflag:s30], $0x4000  }
0x78: {  	[sflag:s30] =	ssyncset.done $0x0  }
0x79: {  	[sflag:s30] =	ssyncadd.s32 $0xFFFFC000  }
0x7a: {  	[spmem:s2] =	stream.indirect.scatter.add.f32 [tilespmem:s26], [sflag:$0x4], $0x80, s25, s23, $0xb8;
	[tilespmem:$0x1C200] =	vst v63  }
0x7b: {  	_ =	swait.ge [sflag:s29], $0x4000  }
0x7c: {  	[sflag:s29] =	ssyncset.done $0x0  }
0x7d: {  	[sflag:s29] =	ssyncadd.s32 $0xFFFFC000  }
0x7e: {  	[tilespmem:s3], [sflag:$0x5] =	stream.linear.gather [hbm4b:s13+s3], $0x80, $0x38;
	[tilespmem:$0x1C200] =	vst v63  }
0x7f: {  	_ =	swait.ge [sflag:s21], $0x80  }
0x80: {  	[sflag:s21] =	ssyncset.done $0x0  }
0x81: {  	[sflag:s21] =	ssyncadd.s32 $0xFFFFFF80  }
0x82: {  	[tilespmem:s22], [sflag:$0x5] =	stream.linear.gather [hbm4b:s14+s3], $0x80, $0x38;
	[tilespmem:$0x1C200] =	vst v63  }
0x83: {  	_ =	swait.ge [sflag:s21], $0x80  }
0x84: {  	[sflag:s21] =	ssyncset.done $0x0  }
0x85: {  	[sflag:s21] =	ssyncadd.s32 $0xFFFFFF80  }
0x86: {  	[tilespmem:s24], [sflag:$0x1] =	stream.indirect.gather [hbm4b:s6+s23], $0x80, s3, s23, $0xb8;
	[tilespmem:$0x1C200] =	vst v63  }
0x87: {  	_ =	swait.ge [sflag:s28], $0x4000  }
0x88: {  	[sflag:s28] =	ssyncset.done $0x0  }
0x89: {  	[sflag:s28] =	ssyncadd.s32 $0xFFFFC000  }
0x8a: {  	[spmem:s2] =	stream.indirect.scatter.add.f32 [tilespmem:s24], [sflag:$0x3], $0x80, s22, s23, $0xb8;
	[tilespmem:$0x1C200] =	vst v63  }
0x8b: {  	_ =	swait.ge [sflag:s29], $0x4000  }
0x8c: {  	[sflag:s29] =	ssyncset.done $0x0  }
0x8d: {  	[sflag:s29] =	ssyncadd.s32 $0xFFFFC000  }
0x8e: {  	_ =	swait.ge [sflag:s31], $0x4000  }
0x8f: {  	s1 =	sadd.s32 $0x1, s1;
	[sflag:s31] =	ssyncset.done $0x0  }
0x90: {  	p0 =	sne.s32 s1, s16;
	[sflag:s31] =	ssyncadd.s32 $0xFFFFC000  }
.Ltmp1:
0x91: {  	[bflag:$0x0] =	sbarrier.arrive $0xFFFF;
	(pc) =	sbr.rel @p0 .LBB2_1-.Ltmp1, $4  }
0x92: {  	[hbm:s15], [sflag:s8] =	dma.local [spmem:s20], $0x2800  }
0x93: {  	_ =	swait.ge [sflag:s21], $0x2800  }
0x94: {  	[sflag:s21] =	ssyncset.done $0x0  }
0x95: {  	[sflag:s21] =	ssyncadd.s32 $0xFFFFD800  }
0x96: {  	_ =	sfence.sel $0x180000  }
0x97: {  	[bflag:$0x0] =	sbarrier.arrive $0xFFFF  }
0x98: {  	_ =	strace $0x9000004A  }
0x99: {  	s0 =	stileid.u32;
	[bflag:$0x2] =	sbarrier.arrive $0xFFFF  }
0x9a: {  	p0 =	sne.s32 s0, $0x0;
	s0 =	rddreg [dreg:$0x3]  }
0x9b: {  	s0 =	sadd.s32 @!p0 $0x100000, s0  }
0x9c: {  	[sflag:s0] =	ssyncadd.tile.s32 @!p0 $0x1;
	_ =	shalt  }
.Lfunc_end2:
_tile_overlayer_lowered:
.L_overlay_start_2:
0x9d: {  	(tag) =	ssettag $0x2  }
0x9e: {  	s0 =	rddreg [dreg:$0x0];
	s2 =	stileid.u32  }
0x9f: {  	s1 =	rddreg [dreg:$0x1];
	p0 =	sne.s32 s2, $0x0  }
0xa0: {  	s3 =	rddreg [dreg:$0x2];
	[bflag:$0x3] =	sbarrier.arrive $0xFFFF;
	s2 =	simm.s32 @!p0 $0x1C05  }
0xa1: {  	[timem:s3], [sflag:s2] =	dma.local @!p0 [hbm:s0], s1  }
0xa2: {  	s0 =	simm.s32 @!p0 $0x5  }
0xa3: {  	_ =	swait.ge @!p0 [sflag:s0], s1  }
0xa4: {  	s1 =	ssub.s32 @!p0 $0x0, s1;
	[sflag:s0] =	ssyncset.done @!p0 $0x0  }
0xa5: {  	[sflag:s0] =	ssyncadd.s32 @!p0 s1  }
0xa6: {  	[bflag:$0x3] =	sbarrier.arrive $0xFFFF  }
0xa7: {  	_ =	shalt  }

</sc_bundles>
